<compile_context>
chip_gen: v7x
topology: tpu7x:2x2x1
jax: 0.10.2.dev20260603
libtpu: 0.0.44.dev20260713+nightly
codegen_flags: <defaults>
</compile_context>

<pallas_src>
import functools

import jax
import jax.numpy as jnp
from jax import lax
from jax.experimental import pallas as pl
from jax.experimental.pallas import tpu as pltpu
from jax.experimental.pallas import tpu_sc as plsc

_DIM = 32
_G = 128
_CHUNK = 2048
_NC = 2
_NS = 16
_NW = _NC * _NS
_CB = 2048
_PB = 8192
_BC = 16384
_P = 5


def _prep_table(table_t, v):
    q4 = _CB // 4
    sb = _PB // _CB
    grid = (v + _PB - 1) // _PB

    def body(in_ref, out_ref):
        x = in_ref[...]
        rows = [
            jnp.concatenate(
                [x[:, s * _CB + q * q4:s * _CB + (q + 1) * q4] for s in range(sb)],
                axis=1,
            )
            for q in range(4)
        ]
        y = jnp.concatenate(rows, axis=0)
        out_ref[...] = jnp.transpose(y)

    return pl.pallas_call(
        body,
        grid=(grid,),
        in_specs=[pl.BlockSpec((_DIM, _PB), lambda c: (0, c))],
        out_specs=pl.BlockSpec((_PB // 4, 128), lambda c: (c, 0)),
        out_shape=jax.ShapeDtypeStruct((grid * _PB // 4, 128), jnp.float32),
    )(table_t)


def _transpose_piece(g128_p, acc, piece, l_pp, l, b):
    sb = _BC // _CHUNK

    def body(*refs):
        in_ref, out_ref = refs[0], refs[-1]
        xt = jnp.transpose(in_ref[...])
        for c in range(sb):
            for q in range(4):
                out_ref[0, :, c * _CHUNK + 512 * q:c * _CHUNK + 512 * (q + 1)] = (
                    xt[32 * q:32 * (q + 1), c * 512:(c + 1) * 512])

    in_specs = [pl.BlockSpec((_BC // 4, 128), lambda i: (i, 0))]
    operands = [g128_p]
    kwargs = {}
    if acc is not None:
        in_specs.append(pl.BlockSpec(memory_space=pl.ANY))
        operands.append(acc)
        kwargs["input_output_aliases"] = {1: 0}

    return pl.pallas_call(
        body,
        grid=(l_pp,),
        in_specs=in_specs,
        out_specs=pl.BlockSpec((1, _DIM, _BC), lambda i, piece=piece: (piece * l_pp + i, 0, 0)),
        out_shape=jax.ShapeDtypeStruct((l, _DIM, b), jnp.float32),
        **kwargs,
    )(*operands)


@functools.partial(jax.jit, static_argnums=(2, 3, 4))
def _gather_rows(idx2d, table, n_rows, piece, n_pieces):
    rows_per_chunk = _CHUNK // _G
    chunks = n_rows // rows_per_chunk
    chunks_pp = chunks // n_pieces
    chunks_per_w = chunks_pp // _NW
    n_lines = chunks_pp * 512
    mesh = plsc.VectorSubcoreMesh(core_axis_name="c", subcore_axis_name="s")

    @functools.partial(
        pl.kernel,
        mesh=mesh,
        out_type=jax.ShapeDtypeStruct((n_lines, 128), jnp.float32),
        scratch_types=[
            pltpu.VMEM((rows_per_chunk, _G), jnp.int32),
            pltpu.VMEM((_CHUNK, _DIM), jnp.float32),
            pltpu.SemaphoreType.DMA,
        ],
        compiler_params=pltpu.CompilerParams(use_tc_tiling_on_sc=False),
    )
    def gather(idx_hbm, table_hbm, out_hbm, idx_v, rows_v, sem):
        wid = lax.axis_index("s") * _NC + lax.axis_index("c")
        c0 = piece * chunks_pp + wid * chunks_per_w

        def body(i, carry):
            c = c0 + i
            co = (wid * chunks_per_w + i) * 512
            pltpu.sync_copy(idx_hbm.at[pl.ds(c * rows_per_chunk, rows_per_chunk)], idx_v)
            copies = [
                pltpu.async_copy(
                    table_hbm.at[idx_v.at[j]],
                    rows_v.at[pl.ds(j * _G, _G)],
                    sem,
                )
                for j in range(rows_per_chunk)
            ]
            for cp in copies:
                cp.wait()
            for q in range(4):
                pltpu.sync_copy(
                    rows_v.at[pl.ds(512 * q, 512)],
                    out_hbm.at[pl.ds(co, 512), pl.ds(32 * q, 32)],
                )
            return carry

        lax.fori_loop(0, chunks_per_w, body, 0)

    return gather(idx2d, table)


def kernel(indices, table):
    b, l = indices.shape
    n = b * l
    v = table.shape[0]
    vp = ((v + _PB - 1) // _PB) * _PB
    table_lin = _prep_table(jnp.transpose(table), v).reshape(vp, _DIM)
    idx = jnp.transpose(indices).astype(jnp.int32)
    jp = (idx & ~2047) + ((idx & 511) << 2) + ((idx & 2047) >> 9)
    idx2d = jp.reshape(n // _G, _G)
    l_pp = l // _P
    acc = None
    for p in range(_P):
        g128_p = _gather_rows(idx2d, table_lin, n // _G, p, _P)
        acc = _transpose_piece(g128_p, acc, p, l_pp, l, b)
    return jnp.transpose(acc, (2, 0, 1))

# --- scband reference (transcript-rebuilt; emitter-appended) ---
"""Pipeline reference for scband-base-module-18382460027562 (READ-ONLY COPY).

The authoritative reference and input builder live on the scoring server;
editing this copy changes nothing except your own understanding.
"""

import jax, jax.numpy as jnp
import numpy as np

VOCAB = 1000000
DIM = 32
B = 16384
L = 200

def setup_inputs(seed: int = 0) -> dict:
    key = jax.random.key(seed)
    k_idx, k_tab = jax.random.split(key)
    indices = jax.random.randint(k_idx, (B, L), 0, VOCAB, dtype=jnp.int64 if jax.config.jax_enable_x64 else jnp.int32)
    table = jax.random.normal(k_tab, (VOCAB, DIM), dtype=jnp.float32) * 0.02
    # padding_idx=0 -> row 0 zeroed (mirrors torch nn.Embedding padding_idx behavior)
    table = table.at[0].set(0.0)
    return {"indices": indices, "table": table}

def reference(indices, table):
    # nn.Embedding forward: gather rows of the embedding table
    return jnp.take(table, indices, axis=0)

if __name__ == "__main__":
    import jax
    _d = setup_inputs()
    print(jax.jit(kernel)(*tuple(_d.values())))

</pallas_src>

<mosaic_0001>
#map = affine_map<(d0, d1) -> (0, 0)>
module attributes {stable_mosaic.version = 14 : i64} {
  func.func @gather(%arg0: i32, %arg1: i32, %arg2: memref<25600x128xi32, #tpu.memory_space<hbm>>, %arg3: memref<1007616x32xf32, #tpu.memory_space<hbm>>, %arg4: memref<163840x128xf32, #tpu.memory_space<hbm>>, %arg5: memref<16x128xi32, #tpu.memory_space<vmem>>, %arg6: memref<2048x32xf32, #tpu.memory_space<vmem>>, %arg7: memref<!tpu.dma_semaphore, #tpu.memory_space<semaphore_mem>>) attributes {dimension_semantics = [#tpu.dimension_semantics<core_parallel>, #tpu.dimension_semantics<subcore_parallel>], iteration_bounds = array<i64: 2, 16>, scalar_prefetch = 0 : i64, scratch_operands = 3 : i64, tpu.core_type = #tpu.core_type<sc_vector_subcore>, window_params = [{transform_indices = #map}, {transform_indices = #map}, {transform_indices = #map}]} {
    %mul3A = arith.constant 2 : i32
    %mul3A_0 = arith.muli %arg1, %mul3A : i32
    %add3A = arith.addi %mul3A_0, %arg0 : i32
    %mul3A_1 = arith.constant 10 : i32
    %mul3A_2 = arith.muli %add3A, %mul3A_1 : i32
    %add3A_3 = arith.constant 0 : i32
    %add3A_4 = arith.addi %add3A_3, %mul3A_2 : i32
    %scan3A = arith.constant 0 : i32
    %scan3A_5 = arith.constant 0 : i32
    %scan3A_6 = arith.constant 10 : i32
    %scan3A_7 = arith.addi %scan3A_5, %scan3A_6 : i32
    %scan3A_8 = arith.constant 1 : i32
    scf.for %scan3A_10 = %scan3A_5 to %scan3A_7 step %scan3A_8  : i32 {
      %add3A_11 = arith.addi %add3A_4, %scan3A_10 : i32
      %mul3A_12 = arith.constant 10 : i32
      %mul3A_13 = arith.muli %add3A, %mul3A_12 : i32
      %add3A_14 = arith.addi %mul3A_13, %scan3A_10 : i32
      %mul3A_15 = arith.constant 512 : i32
      %mul3A_16 = arith.muli %add3A_14, %mul3A_15 : i32
      %mul3A_17 = arith.constant 16 : i32
      %mul3A_18 = arith.muli %add3A_11, %mul3A_17 : i32
      "tpu.region"() ({
        %run_scoped3A = tpu.sem_alloc : memref<!tpu.dma_semaphore, #tpu.memory_space<semaphore_mem>>
        %dma_start3A_337 = arith.constant 0 : i32
        %dma_start3A_338 = tpu.memref_slice %arg2[%mul3A_18, %dma_start3A_337] : memref<25600x128xi32, #tpu.memory_space<hbm>> -> memref<16x128xi32, #tpu.memory_space<hbm>>
        %dma_start3A_339 = arith.constant 0 : i32
        %dma_start3A_340 = tpu.memref_slice %arg2[%mul3A_18, %dma_start3A_339] : memref<25600x128xi32, #tpu.memory_space<hbm>> -> memref<16x128xi32, #tpu.memory_space<hbm>>
        tpu.enqueue_dma source(%dma_start3A_340 : memref<16x128xi32, #tpu.memory_space<hbm>>) target(%arg5 : memref<16x128xi32, #tpu.memory_space<vmem>>) target_semaphore(%run_scoped3A : memref<!tpu.dma_semaphore, #tpu.memory_space<semaphore_mem>>)
        %dma_wait3A_341 = arith.constant 0 : i32
        %dma_wait3A_342 = tpu.memref_slice %arg2[%mul3A_18, %dma_wait3A_341] : memref<25600x128xi32, #tpu.memory_space<hbm>> -> memref<16x128xi32, #tpu.memory_space<hbm>>
        %dma_wait3A_343 = arith.constant 0 : i32
        %dma_wait3A_344 = tpu.memref_slice %arg2[%mul3A_18, %dma_wait3A_343] : memref<25600x128xi32, #tpu.memory_space<hbm>> -> memref<16x128xi32, #tpu.memory_space<hbm>>
        tpu.wait_dma2 semaphore(%run_scoped3A : memref<!tpu.dma_semaphore, #tpu.memory_space<semaphore_mem>>) src(%dma_wait3A_344 : memref<16x128xi32, #tpu.memory_space<hbm>>) dst(%arg5 : memref<16x128xi32, #tpu.memory_space<vmem>>)
        tpu.yield
      }) : () -> ()
      %dma_start3A = arith.constant 0 : i32
      %dma_start3A_19 = arith.constant 0 : i32
      %dma_start3A_20 = arith.constant 0 : i32
      %dma_start3A_21 = tpu.memref_slice %arg6[%dma_start3A_19, %dma_start3A_20] : memref<2048x32xf32, #tpu.memory_space<vmem>> -> memref<128x32xf32, #tpu.memory_space<vmem>>
      %dma_start3A_22 = arith.constant 0 : i32
      %dma_start3A_23 = tpu.memref_slice %arg5[%dma_start3A, %dma_start3A_22] : memref<16x128xi32, #tpu.memory_space<vmem>> -> memref<1x128xi32, #tpu.memory_space<vmem>>
      %dma_start3A_24 = tpu.memref_squeeze %dma_start3A_23 : memref<1x128xi32, #tpu.memory_space<vmem>> -> memref<128xi32, #tpu.memory_space<vmem>>
      %dma_start3A_25 = arith.constant 0 : i32
      %dma_start3A_26 = arith.constant 0 : i32
      %dma_start3A_27 = tpu.memref_slice %arg3[%dma_start3A_25, %dma_start3A_26] : memref<1007616x32xf32, #tpu.memory_space<hbm>> -> memref<1007616x32xf32, #tpu.memory_space<hbm>>
      tpu.enqueue_indirect_dma source(%dma_start3A_27 : memref<1007616x32xf32, #tpu.memory_space<hbm>>) target(%dma_start3A_21 : memref<128x32xf32, #tpu.memory_space<vmem>>) offsets(%dma_start3A_24 : memref<128xi32, #tpu.memory_space<vmem>>) semaphore(%arg7 : memref<!tpu.dma_semaphore, #tpu.memory_space<semaphore_mem>>)
      %dma_start3A_28 = arith.constant 1 : i32
      %dma_start3A_29 = arith.constant 128 : i32
      %dma_start3A_30 = arith.constant 0 : i32
      %dma_start3A_31 = tpu.memref_slice %arg6[%dma_start3A_29, %dma_start3A_30] : memref<2048x32xf32, #tpu.memory_space<vmem>> -> memref<128x32xf32, #tpu.memory_space<vmem>>
      %dma_start3A_32 = arith.constant 0 : i32
      %dma_start3A_33 = tpu.memref_slice %arg5[%dma_start3A_28, %dma_start3A_32] : memref<16x128xi32, #tpu.memory_space<vmem>> -> memref<1x128xi32, #tpu.memory_space<vmem>>
      %dma_start3A_34 = tpu.memref_squeeze %dma_start3A_33 : memref<1x128xi32, #tpu.memory_space<vmem>> -> memref<128xi32, #tpu.memory_space<vmem>>
      %dma_start3A_35 = arith.constant 0 : i32
      %dma_start3A_36 = arith.constant 0 : i32
      %dma_start3A_37 = tpu.memref_slice %arg3[%dma_start3A_35, %dma_start3A_36] : memref<1007616x32xf32, #tpu.memory_space<hbm>> -> memref<1007616x32xf32, #tpu.memory_space<hbm>>
      tpu.enqueue_indirect_dma source(%dma_start3A_37 : memref<1007616x32xf32, #tpu.memory_space<hbm>>) target(%dma_start3A_31 : memref<128x32xf32, #tpu.memory_space<vmem>>) offsets(%dma_start3A_34 : memref<128xi32, #tpu.memory_space<vmem>>) semaphore(%arg7 : memref<!tpu.dma_semaphore, #tpu.memory_space<semaphore_mem>>)
      %dma_start3A_38 = arith.constant 2 : i32
      %dma_start3A_39 = arith.constant 256 : i32
      %dma_start3A_40 = arith.constant 0 : i32
      %dma_start3A_41 = tpu.memref_slice %arg6[%dma_start3A_39, %dma_start3A_40] : memref<2048x32xf32, #tpu.memory_space<vmem>> -> memref<128x32xf32, #tpu.memory_space<vmem>>
      %dma_start3A_42 = arith.constant 0 : i32
      %dma_start3A_43 = tpu.memref_slice %arg5[%dma_start3A_38, %dma_start3A_42] : memref<16x128xi32, #tpu.memory_space<vmem>> -> memref<1x128xi32, #tpu.memory_space<vmem>>
      %dma_start3A_44 = tpu.memref_squeeze %dma_start3A_43 : memref<1x128xi32, #tpu.memory_space<vmem>> -> memref<128xi32, #tpu.memory_space<vmem>>
      %dma_start3A_45 = arith.constant 0 : i32
      %dma_start3A_46 = arith.constant 0 : i32
      %dma_start3A_47 = tpu.memref_slice %arg3[%dma_start3A_45, %dma_start3A_46] : memref<1007616x32xf32, #tpu.memory_space<hbm>> -> memref<1007616x32xf32, #tpu.memory_space<hbm>>
      tpu.enqueue_indirect_dma source(%dma_start3A_47 : memref<1007616x32xf32, #tpu.memory_space<hbm>>) target(%dma_start3A_41 : memref<128x32xf32, #tpu.memory_space<vmem>>) offsets(%dma_start3A_44 : memref<128xi32, #tpu.memory_space<vmem>>) semaphore(%arg7 : memref<!tpu.dma_semaphore, #tpu.memory_space<semaphore_mem>>)
      %dma_start3A_48 = arith.constant 3 : i32
      %dma_start3A_49 = arith.constant 384 : i32
      %dma_start3A_50 = arith.constant 0 : i32
      %dma_start3A_51 = tpu.memref_slice %arg6[%dma_start3A_49, %dma_start3A_50] : memref<2048x32xf32, #tpu.memory_space<vmem>> -> memref<128x32xf32, #tpu.memory_space<vmem>>
      %dma_start3A_52 = arith.constant 0 : i32
      %dma_start3A_53 = tpu.memref_slice %arg5[%dma_start3A_48, %dma_start3A_52] : memref<16x128xi32, #tpu.memory_space<vmem>> -> memref<1x128xi32, #tpu.memory_space<vmem>>
      %dma_start3A_54 = tpu.memref_squeeze %dma_start3A_53 : memref<1x128xi32, #tpu.memory_space<vmem>> -> memref<128xi32, #tpu.memory_space<vmem>>
      %dma_start3A_55 = arith.constant 0 : i32
      %dma_start3A_56 = arith.constant 0 : i32
      %dma_start3A_57 = tpu.memref_slice %arg3[%dma_start3A_55, %dma_start3A_56] : memref<1007616x32xf32, #tpu.memory_space<hbm>> -> memref<1007616x32xf32, #tpu.memory_space<hbm>>
      tpu.enqueue_indirect_dma source(%dma_start3A_57 : memref<1007616x32xf32, #tpu.memory_space<hbm>>) target(%dma_start3A_51 : memref<128x32xf32, #tpu.memory_space<vmem>>) offsets(%dma_start3A_54 : memref<128xi32, #tpu.memory_space<vmem>>) semaphore(%arg7 : memref<!tpu.dma_semaphore, #tpu.memory_space<semaphore_mem>>)
      %dma_start3A_58 = arith.constant 4 : i32
      %dma_start3A_59 = arith.constant 512 : i32
      %dma_start3A_60 = arith.constant 0 : i32
      %dma_start3A_61 = tpu.memref_slice %arg6[%dma_start3A_59, %dma_start3A_60] : memref<2048x32xf32, #tpu.memory_space<vmem>> -> memref<128x32xf32, #tpu.memory_space<vmem>>
      %dma_start3A_62 = arith.constant 0 : i32
      %dma_start3A_63 = tpu.memref_slice %arg5[%dma_start3A_58, %dma_start3A_62] : memref<16x128xi32, #tpu.memory_space<vmem>> -> memref<1x128xi32, #tpu.memory_space<vmem>>
      %dma_start3A_64 = tpu.memref_squeeze %dma_start3A_63 : memref<1x128xi32, #tpu.memory_space<vmem>> -> memref<128xi32, #tpu.memory_space<vmem>>
      %dma_start3A_65 = arith.constant 0 : i32
      %dma_start3A_66 = arith.constant 0 : i32
      %dma_start3A_67 = tpu.memref_slice %arg3[%dma_start3A_65, %dma_start3A_66] : memref<1007616x32xf32, #tpu.memory_space<hbm>> -> memref<1007616x32xf32, #tpu.memory_space<hbm>>
      tpu.enqueue_indirect_dma source(%dma_start3A_67 : memref<1007616x32xf32, #tpu.memory_space<hbm>>) target(%dma_start3A_61 : memref<128x32xf32, #tpu.memory_space<vmem>>) offsets(%dma_start3A_64 : memref<128xi32, #tpu.memory_space<vmem>>) semaphore(%arg7 : memref<!tpu.dma_semaphore, #tpu.memory_space<semaphore_mem>>)
      %dma_start3A_68 = arith.constant 5 : i32
      %dma_start3A_69 = arith.constant 640 : i32
      %dma_start3A_70 = arith.constant 0 : i32
      %dma_start3A_71 = tpu.memref_slice %arg6[%dma_start3A_69, %dma_start3A_70] : memref<2048x32xf32, #tpu.memory_space<vmem>> -> memref<128x32xf32, #tpu.memory_space<vmem>>
      %dma_start3A_72 = arith.constant 0 : i32
      %dma_start3A_73 = tpu.memref_slice %arg5[%dma_start3A_68, %dma_start3A_72] : memref<16x128xi32, #tpu.memory_space<vmem>> -> memref<1x128xi32, #tpu.memory_space<vmem>>
      %dma_start3A_74 = tpu.memref_squeeze %dma_start3A_73 : memref<1x128xi32, #tpu.memory_space<vmem>> -> memref<128xi32, #tpu.memory_space<vmem>>
      %dma_start3A_75 = arith.constant 0 : i32
      %dma_start3A_76 = arith.constant 0 : i32
      %dma_start3A_77 = tpu.memref_slice %arg3[%dma_start3A_75, %dma_start3A_76] : memref<1007616x32xf32, #tpu.memory_space<hbm>> -> memref<1007616x32xf32, #tpu.memory_space<hbm>>
      tpu.enqueue_indirect_dma source(%dma_start3A_77 : memref<1007616x32xf32, #tpu.memory_space<hbm>>) target(%dma_start3A_71 : memref<128x32xf32, #tpu.memory_space<vmem>>) offsets(%dma_start3A_74 : memref<128xi32, #tpu.memory_space<vmem>>) semaphore(%arg7 : memref<!tpu.dma_semaphore, #tpu.memory_space<semaphore_mem>>)
      %dma_start3A_78 = arith.constant 6 : i32
      %dma_start3A_79 = arith.constant 768 : i32
      %dma_start3A_80 = arith.constant 0 : i32
      %dma_start3A_81 = tpu.memref_slice %arg6[%dma_start3A_79, %dma_start3A_80] : memref<2048x32xf32, #tpu.memory_space<vmem>> -> memref<128x32xf32, #tpu.memory_space<vmem>>
      %dma_start3A_82 = arith.constant 0 : i32
      %dma_start3A_83 = tpu.memref_slice %arg5[%dma_start3A_78, %dma_start3A_82] : memref<16x128xi32, #tpu.memory_space<vmem>> -> memref<1x128xi32, #tpu.memory_space<vmem>>
      %dma_start3A_84 = tpu.memref_squeeze %dma_start3A_83 : memref<1x128xi32, #tpu.memory_space<vmem>> -> memref<128xi32, #tpu.memory_space<vmem>>
      %dma_start3A_85 = arith.constant 0 : i32
      %dma_start3A_86 = arith.constant 0 : i32
      %dma_start3A_87 = tpu.memref_slice %arg3[%dma_start3A_85, %dma_start3A_86] : memref<1007616x32xf32, #tpu.memory_space<hbm>> -> memref<1007616x32xf32, #tpu.memory_space<hbm>>
      tpu.enqueue_indirect_dma source(%dma_start3A_87 : memref<1007616x32xf32, #tpu.memory_space<hbm>>) target(%dma_start3A_81 : memref<128x32xf32, #tpu.memory_space<vmem>>) offsets(%dma_start3A_84 : memref<128xi32, #tpu.memory_space<vmem>>) semaphore(%arg7 : memref<!tpu.dma_semaphore, #tpu.memory_space<semaphore_mem>>)
      %dma_start3A_88 = arith.constant 7 : i32
      %dma_start3A_89 = arith.constant 896 : i32
      %dma_start3A_90 = arith.constant 0 : i32
      %dma_start3A_91 = tpu.memref_slice %arg6[%dma_start3A_89, %dma_start3A_90] : memref<2048x32xf32, #tpu.memory_space<vmem>> -> memref<128x32xf32, #tpu.memory_space<vmem>>
      %dma_start3A_92 = arith.constant 0 : i32
      %dma_start3A_93 = tpu.memref_slice %arg5[%dma_start3A_88, %dma_start3A_92] : memref<16x128xi32, #tpu.memory_space<vmem>> -> memref<1x128xi32, #tpu.memory_space<vmem>>
      %dma_start3A_94 = tpu.memref_squeeze %dma_start3A_93 : memref<1x128xi32, #tpu.memory_space<vmem>> -> memref<128xi32, #tpu.memory_space<vmem>>
      %dma_start3A_95 = arith.constant 0 : i32
      %dma_start3A_96 = arith.constant 0 : i32
      %dma_start3A_97 = tpu.memref_slice %arg3[%dma_start3A_95, %dma_start3A_96] : memref<1007616x32xf32, #tpu.memory_space<hbm>> -> memref<1007616x32xf32, #tpu.memory_space<hbm>>
      tpu.enqueue_indirect_dma source(%dma_start3A_97 : memref<1007616x32xf32, #tpu.memory_space<hbm>>) target(%dma_start3A_91 : memref<128x32xf32, #tpu.memory_space<vmem>>) offsets(%dma_start3A_94 : memref<128xi32, #tpu.memory_space<vmem>>) semaphore(%arg7 : memref<!tpu.dma_semaphore, #tpu.memory_space<semaphore_mem>>)
      %dma_start3A_98 = arith.constant 8 : i32
      %dma_start3A_99 = arith.constant 1024 : i32
      %dma_start3A_100 = arith.constant 0 : i32
      %dma_start3A_101 = tpu.memref_slice %arg6[%dma_start3A_99, %dma_start3A_100] : memref<2048x32xf32, #tpu.memory_space<vmem>> -> memref<128x32xf32, #tpu.memory_space<vmem>>
      %dma_start3A_102 = arith.constant 0 : i32
      %dma_start3A_103 = tpu.memref_slice %arg5[%dma_start3A_98, %dma_start3A_102] : memref<16x128xi32, #tpu.memory_space<vmem>> -> memref<1x128xi32, #tpu.memory_space<vmem>>
      %dma_start3A_104 = tpu.memref_squeeze %dma_start3A_103 : memref<1x128xi32, #tpu.memory_space<vmem>> -> memref<128xi32, #tpu.memory_space<vmem>>
      %dma_start3A_105 = arith.constant 0 : i32
      %dma_start3A_106 = arith.constant 0 : i32
      %dma_start3A_107 = tpu.memref_slice %arg3[%dma_start3A_105, %dma_start3A_106] : memref<1007616x32xf32, #tpu.memory_space<hbm>> -> memref<1007616x32xf32, #tpu.memory_space<hbm>>
      tpu.enqueue_indirect_dma source(%dma_start3A_107 : memref<1007616x32xf32, #tpu.memory_space<hbm>>) target(%dma_start3A_101 : memref<128x32xf32, #tpu.memory_space<vmem>>) offsets(%dma_start3A_104 : memref<128xi32, #tpu.memory_space<vmem>>) semaphore(%arg7 : memref<!tpu.dma_semaphore, #tpu.memory_space<semaphore_mem>>)
      %dma_start3A_108 = arith.constant 9 : i32
      %dma_start3A_109 = arith.constant 1152 : i32
      %dma_start3A_110 = arith.constant 0 : i32
      %dma_start3A_111 = tpu.memref_slice %arg6[%dma_start3A_109, %dma_start3A_110] : memref<2048x32xf32, #tpu.memory_space<vmem>> -> memref<128x32xf32, #tpu.memory_space<vmem>>
      %dma_start3A_112 = arith.constant 0 : i32
      %dma_start3A_113 = tpu.memref_slice %arg5[%dma_start3A_108, %dma_start3A_112] : memref<16x128xi32, #tpu.memory_space<vmem>> -> memref<1x128xi32, #tpu.memory_space<vmem>>
      %dma_start3A_114 = tpu.memref_squeeze %dma_start3A_113 : memref<1x128xi32, #tpu.memory_space<vmem>> -> memref<128xi32, #tpu.memory_space<vmem>>
      %dma_start3A_115 = arith.constant 0 : i32
      %dma_start3A_116 = arith.constant 0 : i32
      %dma_start3A_117 = tpu.memref_slice %arg3[%dma_start3A_115, %dma_start3A_116] : memref<1007616x32xf32, #tpu.memory_space<hbm>> -> memref<1007616x32xf32, #tpu.memory_space<hbm>>
      tpu.enqueue_indirect_dma source(%dma_start3A_117 : memref<1007616x32xf32, #tpu.memory_space<hbm>>) target(%dma_start3A_111 : memref<128x32xf32, #tpu.memory_space<vmem>>) offsets(%dma_start3A_114 : memref<128xi32, #tpu.memory_space<vmem>>) semaphore(%arg7 : memref<!tpu.dma_semaphore, #tpu.memory_space<semaphore_mem>>)
      %dma_start3A_118 = arith.constant 10 : i32
      %dma_start3A_119 = arith.constant 1280 : i32
      %dma_start3A_120 = arith.constant 0 : i32
      %dma_start3A_121 = tpu.memref_slice %arg6[%dma_start3A_119, %dma_start3A_120] : memref<2048x32xf32, #tpu.memory_space<vmem>> -> memref<128x32xf32, #tpu.memory_space<vmem>>
      %dma_start3A_122 = arith.constant 0 : i32
      %dma_start3A_123 = tpu.memref_slice %arg5[%dma_start3A_118, %dma_start3A_122] : memref<16x128xi32, #tpu.memory_space<vmem>> -> memref<1x128xi32, #tpu.memory_space<vmem>>
      %dma_start3A_124 = tpu.memref_squeeze %dma_start3A_123 : memref<1x128xi32, #tpu.memory_space<vmem>> -> memref<128xi32, #tpu.memory_space<vmem>>
      %dma_start3A_125 = arith.constant 0 : i32
      %dma_start3A_126 = arith.constant 0 : i32
      %dma_start3A_127 = tpu.memref_slice %arg3[%dma_start3A_125, %dma_start3A_126] : memref<1007616x32xf32, #tpu.memory_space<hbm>> -> memref<1007616x32xf32, #tpu.memory_space<hbm>>
      tpu.enqueue_indirect_dma source(%dma_start3A_127 : memref<1007616x32xf32, #tpu.memory_space<hbm>>) target(%dma_start3A_121 : memref<128x32xf32, #tpu.memory_space<vmem>>) offsets(%dma_start3A_124 : memref<128xi32, #tpu.memory_space<vmem>>) semaphore(%arg7 : memref<!tpu.dma_semaphore, #tpu.memory_space<semaphore_mem>>)
      %dma_start3A_128 = arith.constant 11 : i32
      %dma_start3A_129 = arith.constant 1408 : i32
      %dma_start3A_130 = arith.constant 0 : i32
      %dma_start3A_131 = tpu.memref_slice %arg6[%dma_start3A_129, %dma_start3A_130] : memref<2048x32xf32, #tpu.memory_space<vmem>> -> memref<128x32xf32, #tpu.memory_space<vmem>>
      %dma_start3A_132 = arith.constant 0 : i32
      %dma_start3A_133 = tpu.memref_slice %arg5[%dma_start3A_128, %dma_start3A_132] : memref<16x128xi32, #tpu.memory_space<vmem>> -> memref<1x128xi32, #tpu.memory_space<vmem>>
      %dma_start3A_134 = tpu.memref_squeeze %dma_start3A_133 : memref<1x128xi32, #tpu.memory_space<vmem>> -> memref<128xi32, #tpu.memory_space<vmem>>
      %dma_start3A_135 = arith.constant 0 : i32
      %dma_start3A_136 = arith.constant 0 : i32
      %dma_start3A_137 = tpu.memref_slice %arg3[%dma_start3A_135, %dma_start3A_136] : memref<1007616x32xf32, #tpu.memory_space<hbm>> -> memref<1007616x32xf32, #tpu.memory_space<hbm>>
      tpu.enqueue_indirect_dma source(%dma_start3A_137 : memref<1007616x32xf32, #tpu.memory_space<hbm>>) target(%dma_start3A_131 : memref<128x32xf32, #tpu.memory_space<vmem>>) offsets(%dma_start3A_134 : memref<128xi32, #tpu.memory_space<vmem>>) semaphore(%arg7 : memref<!tpu.dma_semaphore, #tpu.memory_space<semaphore_mem>>)
      %dma_start3A_138 = arith.constant 12 : i32
      %dma_start3A_139 = arith.constant 1536 : i32
      %dma_start3A_140 = arith.constant 0 : i32
      %dma_start3A_141 = tpu.memref_slice %arg6[%dma_start3A_139, %dma_start3A_140] : memref<2048x32xf32, #tpu.memory_space<vmem>> -> memref<128x32xf32, #tpu.memory_space<vmem>>
      %dma_start3A_142 = arith.constant 0 : i32
      %dma_start3A_143 = tpu.memref_slice %arg5[%dma_start3A_138, %dma_start3A_142] : memref<16x128xi32, #tpu.memory_space<vmem>> -> memref<1x128xi32, #tpu.memory_space<vmem>>
      %dma_start3A_144 = tpu.memref_squeeze %dma_start3A_143 : memref<1x128xi32, #tpu.memory_space<vmem>> -> memref<128xi32, #tpu.memory_space<vmem>>
      %dma_start3A_145 = arith.constant 0 : i32
      %dma_start3A_146 = arith.constant 0 : i32
      %dma_start3A_147 = tpu.memref_slice %arg3[%dma_start3A_145, %dma_start3A_146] : memref<1007616x32xf32, #tpu.memory_space<hbm>> -> memref<1007616x32xf32, #tpu.memory_space<hbm>>
      tpu.enqueue_indirect_dma source(%dma_start3A_147 : memref<1007616x32xf32, #tpu.memory_space<hbm>>) target(%dma_start3A_141 : memref<128x32xf32, #tpu.memory_space<vmem>>) offsets(%dma_start3A_144 : memref<128xi32, #tpu.memory_space<vmem>>) semaphore(%arg7 : memref<!tpu.dma_semaphore, #tpu.memory_space<semaphore_mem>>)
      %dma_start3A_148 = arith.constant 13 : i32
      %dma_start3A_149 = arith.constant 1664 : i32
      %dma_start3A_150 = arith.constant 0 : i32
      %dma_start3A_151 = tpu.memref_slice %arg6[%dma_start3A_149, %dma_start3A_150] : memref<2048x32xf32, #tpu.memory_space<vmem>> -> memref<128x32xf32, #tpu.memory_space<vmem>>
      %dma_start3A_152 = arith.constant 0 : i32
      %dma_start3A_153 = tpu.memref_slice %arg5[%dma_start3A_148, %dma_start3A_152] : memref<16x128xi32, #tpu.memory_space<vmem>> -> memref<1x128xi32, #tpu.memory_space<vmem>>
      %dma_start3A_154 = tpu.memref_squeeze %dma_start3A_153 : memref<1x128xi32, #tpu.memory_space<vmem>> -> memref<128xi32, #tpu.memory_space<vmem>>
      %dma_start3A_155 = arith.constant 0 : i32
      %dma_start3A_156 = arith.constant 0 : i32
      %dma_start3A_157 = tpu.memref_slice %arg3[%dma_start3A_155, %dma_start3A_156] : memref<1007616x32xf32, #tpu.memory_space<hbm>> -> memref<1007616x32xf32, #tpu.memory_space<hbm>>
      tpu.enqueue_indirect_dma source(%dma_start3A_157 : memref<1007616x32xf32, #tpu.memory_space<hbm>>) target(%dma_start3A_151 : memref<128x32xf32, #tpu.memory_space<vmem>>) offsets(%dma_start3A_154 : memref<128xi32, #tpu.memory_space<vmem>>) semaphore(%arg7 : memref<!tpu.dma_semaphore, #tpu.memory_space<semaphore_mem>>)
      %dma_start3A_158 = arith.constant 14 : i32
      %dma_start3A_159 = arith.constant 1792 : i32
      %dma_start3A_160 = arith.constant 0 : i32
      %dma_start3A_161 = tpu.memref_slice %arg6[%dma_start3A_159, %dma_start3A_160] : memref<2048x32xf32, #tpu.memory_space<vmem>> -> memref<128x32xf32, #tpu.memory_space<vmem>>
      %dma_start3A_162 = arith.constant 0 : i32
      %dma_start3A_163 = tpu.memref_slice %arg5[%dma_start3A_158, %dma_start3A_162] : memref<16x128xi32, #tpu.memory_space<vmem>> -> memref<1x128xi32, #tpu.memory_space<vmem>>
      %dma_start3A_164 = tpu.memref_squeeze %dma_start3A_163 : memref<1x128xi32, #tpu.memory_space<vmem>> -> memref<128xi32, #tpu.memory_space<vmem>>
      %dma_start3A_165 = arith.constant 0 : i32
      %dma_start3A_166 = arith.constant 0 : i32
      %dma_start3A_167 = tpu.memref_slice %arg3[%dma_start3A_165, %dma_start3A_166] : memref<1007616x32xf32, #tpu.memory_space<hbm>> -> memref<1007616x32xf32, #tpu.memory_space<hbm>>
      tpu.enqueue_indirect_dma source(%dma_start3A_167 : memref<1007616x32xf32, #tpu.memory_space<hbm>>) target(%dma_start3A_161 : memref<128x32xf32, #tpu.memory_space<vmem>>) offsets(%dma_start3A_164 : memref<128xi32, #tpu.memory_space<vmem>>) semaphore(%arg7 : memref<!tpu.dma_semaphore, #tpu.memory_space<semaphore_mem>>)
      %dma_start3A_168 = arith.constant 15 : i32
      %dma_start3A_169 = arith.constant 1920 : i32
      %dma_start3A_170 = arith.constant 0 : i32
      %dma_start3A_171 = tpu.memref_slice %arg6[%dma_start3A_169, %dma_start3A_170] : memref<2048x32xf32, #tpu.memory_space<vmem>> -> memref<128x32xf32, #tpu.memory_space<vmem>>
      %dma_start3A_172 = arith.constant 0 : i32
      %dma_start3A_173 = tpu.memref_slice %arg5[%dma_start3A_168, %dma_start3A_172] : memref<16x128xi32, #tpu.memory_space<vmem>> -> memref<1x128xi32, #tpu.memory_space<vmem>>
      %dma_start3A_174 = tpu.memref_squeeze %dma_start3A_173 : memref<1x128xi32, #tpu.memory_space<vmem>> -> memref<128xi32, #tpu.memory_space<vmem>>
      %dma_start3A_175 = arith.constant 0 : i32
      %dma_start3A_176 = arith.constant 0 : i32
      %dma_start3A_177 = tpu.memref_slice %arg3[%dma_start3A_175, %dma_start3A_176] : memref<1007616x32xf32, #tpu.memory_space<hbm>> -> memref<1007616x32xf32, #tpu.memory_space<hbm>>
      tpu.enqueue_indirect_dma source(%dma_start3A_177 : memref<1007616x32xf32, #tpu.memory_space<hbm>>) target(%dma_start3A_171 : memref<128x32xf32, #tpu.memory_space<vmem>>) offsets(%dma_start3A_174 : memref<128xi32, #tpu.memory_space<vmem>>) semaphore(%arg7 : memref<!tpu.dma_semaphore, #tpu.memory_space<semaphore_mem>>)
      %dma_wait3A = arith.constant 0 : i32
      %dma_wait3A_178 = arith.constant 0 : i32
      %dma_wait3A_179 = arith.constant 0 : i32
      %dma_wait3A_180 = tpu.memref_slice %arg6[%dma_wait3A_178, %dma_wait3A_179] : memref<2048x32xf32, #tpu.memory_space<vmem>> -> memref<128x32xf32, #tpu.memory_space<vmem>>
      %dma_wait3A_181 = arith.constant 0 : i32
      %dma_wait3A_182 = tpu.memref_slice %arg5[%dma_wait3A, %dma_wait3A_181] : memref<16x128xi32, #tpu.memory_space<vmem>> -> memref<1x128xi32, #tpu.memory_space<vmem>>
      %dma_wait3A_183 = tpu.memref_squeeze %dma_wait3A_182 : memref<1x128xi32, #tpu.memory_space<vmem>> -> memref<128xi32, #tpu.memory_space<vmem>>
      %dma_wait3A_184 = arith.constant 0 : i32
      %dma_wait3A_185 = arith.constant 0 : i32
      %dma_wait3A_186 = tpu.memref_slice %arg3[%dma_wait3A_184, %dma_wait3A_185] : memref<1007616x32xf32, #tpu.memory_space<hbm>> -> memref<1007616x32xf32, #tpu.memory_space<hbm>>
      tpu.wait_indirect_dma semaphore(%arg7 : memref<!tpu.dma_semaphore, #tpu.memory_space<semaphore_mem>>) src(%dma_wait3A_186 : memref<1007616x32xf32, #tpu.memory_space<hbm>>) dst(%dma_wait3A_180 : memref<128x32xf32, #tpu.memory_space<vmem>>)
      %dma_wait3A_187 = arith.constant 1 : i32
      %dma_wait3A_188 = arith.constant 128 : i32
      %dma_wait3A_189 = arith.constant 0 : i32
      %dma_wait3A_190 = tpu.memref_slice %arg6[%dma_wait3A_188, %dma_wait3A_189] : memref<2048x32xf32, #tpu.memory_space<vmem>> -> memref<128x32xf32, #tpu.memory_space<vmem>>
      %dma_wait3A_191 = arith.constant 0 : i32
      %dma_wait3A_192 = tpu.memref_slice %arg5[%dma_wait3A_187, %dma_wait3A_191] : memref<16x128xi32, #tpu.memory_space<vmem>> -> memref<1x128xi32, #tpu.memory_space<vmem>>
      %dma_wait3A_193 = tpu.memref_squeeze %dma_wait3A_192 : memref<1x128xi32, #tpu.memory_space<vmem>> -> memref<128xi32, #tpu.memory_space<vmem>>
      %dma_wait3A_194 = arith.constant 0 : i32
      %dma_wait3A_195 = arith.constant 0 : i32
      %dma_wait3A_196 = tpu.memref_slice %arg3[%dma_wait3A_194, %dma_wait3A_195] : memref<1007616x32xf32, #tpu.memory_space<hbm>> -> memref<1007616x32xf32, #tpu.memory_space<hbm>>
      tpu.wait_indirect_dma semaphore(%arg7 : memref<!tpu.dma_semaphore, #tpu.memory_space<semaphore_mem>>) src(%dma_wait3A_196 : memref<1007616x32xf32, #tpu.memory_space<hbm>>) dst(%dma_wait3A_190 : memref<128x32xf32, #tpu.memory_space<vmem>>)
      %dma_wait3A_197 = arith.constant 2 : i32
      %dma_wait3A_198 = arith.constant 256 : i32
      %dma_wait3A_199 = arith.constant 0 : i32
      %dma_wait3A_200 = tpu.memref_slice %arg6[%dma_wait3A_198, %dma_wait3A_199] : memref<2048x32xf32, #tpu.memory_space<vmem>> -> memref<128x32xf32, #tpu.memory_space<vmem>>
      %dma_wait3A_201 = arith.constant 0 : i32
      %dma_wait3A_202 = tpu.memref_slice %arg5[%dma_wait3A_197, %dma_wait3A_201] : memref<16x128xi32, #tpu.memory_space<vmem>> -> memref<1x128xi32, #tpu.memory_space<vmem>>
      %dma_wait3A_203 = tpu.memref_squeeze %dma_wait3A_202 : memref<1x128xi32, #tpu.memory_space<vmem>> -> memref<128xi32, #tpu.memory_space<vmem>>
      %dma_wait3A_204 = arith.constant 0 : i32
      %dma_wait3A_205 = arith.constant 0 : i32
      %dma_wait3A_206 = tpu.memref_slice %arg3[%dma_wait3A_204, %dma_wait3A_205] : memref<1007616x32xf32, #tpu.memory_space<hbm>> -> memref<1007616x32xf32, #tpu.memory_space<hbm>>
      tpu.wait_indirect_dma semaphore(%arg7 : memref<!tpu.dma_semaphore, #tpu.memory_space<semaphore_mem>>) src(%dma_wait3A_206 : memref<1007616x32xf32, #tpu.memory_space<hbm>>) dst(%dma_wait3A_200 : memref<128x32xf32, #tpu.memory_space<vmem>>)
      %dma_wait3A_207 = arith.constant 3 : i32
      %dma_wait3A_208 = arith.constant 384 : i32
      %dma_wait3A_209 = arith.constant 0 : i32
      %dma_wait3A_210 = tpu.memref_slice %arg6[%dma_wait3A_208, %dma_wait3A_209] : memref<2048x32xf32, #tpu.memory_space<vmem>> -> memref<128x32xf32, #tpu.memory_space<vmem>>
      %dma_wait3A_211 = arith.constant 0 : i32
      %dma_wait3A_212 = tpu.memref_slice %arg5[%dma_wait3A_207, %dma_wait3A_211] : memref<16x128xi32, #tpu.memory_space<vmem>> -> memref<1x128xi32, #tpu.memory_space<vmem>>
      %dma_wait3A_213 = tpu.memref_squeeze %dma_wait3A_212 : memref<1x128xi32, #tpu.memory_space<vmem>> -> memref<128xi32, #tpu.memory_space<vmem>>
      %dma_wait3A_214 = arith.constant 0 : i32
      %dma_wait3A_215 = arith.constant 0 : i32
      %dma_wait3A_216 = tpu.memref_slice %arg3[%dma_wait3A_214, %dma_wait3A_215] : memref<1007616x32xf32, #tpu.memory_space<hbm>> -> memref<1007616x32xf32, #tpu.memory_space<hbm>>
      tpu.wait_indirect_dma semaphore(%arg7 : memref<!tpu.dma_semaphore, #tpu.memory_space<semaphore_mem>>) src(%dma_wait3A_216 : memref<1007616x32xf32, #tpu.memory_space<hbm>>) dst(%dma_wait3A_210 : memref<128x32xf32, #tpu.memory_space<vmem>>)
      %dma_wait3A_217 = arith.constant 4 : i32
      %dma_wait3A_218 = arith.constant 512 : i32
      %dma_wait3A_219 = arith.constant 0 : i32
      %dma_wait3A_220 = tpu.memref_slice %arg6[%dma_wait3A_218, %dma_wait3A_219] : memref<2048x32xf32, #tpu.memory_space<vmem>> -> memref<128x32xf32, #tpu.memory_space<vmem>>
      %dma_wait3A_221 = arith.constant 0 : i32
      %dma_wait3A_222 = tpu.memref_slice %arg5[%dma_wait3A_217, %dma_wait3A_221] : memref<16x128xi32, #tpu.memory_space<vmem>> -> memref<1x128xi32, #tpu.memory_space<vmem>>
      %dma_wait3A_223 = tpu.memref_squeeze %dma_wait3A_222 : memref<1x128xi32, #tpu.memory_space<vmem>> -> memref<128xi32, #tpu.memory_space<vmem>>
      %dma_wait3A_224 = arith.constant 0 : i32
      %dma_wait3A_225 = arith.constant 0 : i32
      %dma_wait3A_226 = tpu.memref_slice %arg3[%dma_wait3A_224, %dma_wait3A_225] : memref<1007616x32xf32, #tpu.memory_space<hbm>> -> memref<1007616x32xf32, #tpu.memory_space<hbm>>
      tpu.wait_indirect_dma semaphore(%arg7 : memref<!tpu.dma_semaphore, #tpu.memory_space<semaphore_mem>>) src(%dma_wait3A_226 : memref<1007616x32xf32, #tpu.memory_space<hbm>>) dst(%dma_wait3A_220 : memref<128x32xf32, #tpu.memory_space<vmem>>)
      %dma_wait3A_227 = arith.constant 5 : i32
      %dma_wait3A_228 = arith.constant 640 : i32
      %dma_wait3A_229 = arith.constant 0 : i32
      %dma_wait3A_230 = tpu.memref_slice %arg6[%dma_wait3A_228, %dma_wait3A_229] : memref<2048x32xf32, #tpu.memory_space<vmem>> -> memref<128x32xf32, #tpu.memory_space<vmem>>
      %dma_wait3A_231 = arith.constant 0 : i32
      %dma_wait3A_232 = tpu.memref_slice %arg5[%dma_wait3A_227, %dma_wait3A_231] : memref<16x128xi32, #tpu.memory_space<vmem>> -> memref<1x128xi32, #tpu.memory_space<vmem>>
      %dma_wait3A_233 = tpu.memref_squeeze %dma_wait3A_232 : memref<1x128xi32, #tpu.memory_space<vmem>> -> memref<128xi32, #tpu.memory_space<vmem>>
      %dma_wait3A_234 = arith.constant 0 : i32
      %dma_wait3A_235 = arith.constant 0 : i32
      %dma_wait3A_236 = tpu.memref_slice %arg3[%dma_wait3A_234, %dma_wait3A_235] : memref<1007616x32xf32, #tpu.memory_space<hbm>> -> memref<1007616x32xf32, #tpu.memory_space<hbm>>
      tpu.wait_indirect_dma semaphore(%arg7 : memref<!tpu.dma_semaphore, #tpu.memory_space<semaphore_mem>>) src(%dma_wait3A_236 : memref<1007616x32xf32, #tpu.memory_space<hbm>>) dst(%dma_wait3A_230 : memref<128x32xf32, #tpu.memory_space<vmem>>)
      %dma_wait3A_237 = arith.constant 6 : i32
      %dma_wait3A_238 = arith.constant 768 : i32
      %dma_wait3A_239 = arith.constant 0 : i32
      %dma_wait3A_240 = tpu.memref_slice %arg6[%dma_wait3A_238, %dma_wait3A_239] : memref<2048x32xf32, #tpu.memory_space<vmem>> -> memref<128x32xf32, #tpu.memory_space<vmem>>
      %dma_wait3A_241 = arith.constant 0 : i32
      %dma_wait3A_242 = tpu.memref_slice %arg5[%dma_wait3A_237, %dma_wait3A_241] : memref<16x128xi32, #tpu.memory_space<vmem>> -> memref<1x128xi32, #tpu.memory_space<vmem>>
      %dma_wait3A_243 = tpu.memref_squeeze %dma_wait3A_242 : memref<1x128xi32, #tpu.memory_space<vmem>> -> memref<128xi32, #tpu.memory_space<vmem>>
      %dma_wait3A_244 = arith.constant 0 : i32
      %dma_wait3A_245 = arith.constant 0 : i32
      %dma_wait3A_246 = tpu.memref_slice %arg3[%dma_wait3A_244, %dma_wait3A_245] : memref<1007616x32xf32, #tpu.memory_space<hbm>> -> memref<1007616x32xf32, #tpu.memory_space<hbm>>
      tpu.wait_indirect_dma semaphore(%arg7 : memref<!tpu.dma_semaphore, #tpu.memory_space<semaphore_mem>>) src(%dma_wait3A_246 : memref<1007616x32xf32, #tpu.memory_space<hbm>>) dst(%dma_wait3A_240 : memref<128x32xf32, #tpu.memory_space<vmem>>)
      %dma_wait3A_247 = arith.constant 7 : i32
      %dma_wait3A_248 = arith.constant 896 : i32
      %dma_wait3A_249 = arith.constant 0 : i32
      %dma_wait3A_250 = tpu.memref_slice %arg6[%dma_wait3A_248, %dma_wait3A_249] : memref<2048x32xf32, #tpu.memory_space<vmem>> -> memref<128x32xf32, #tpu.memory_space<vmem>>
      %dma_wait3A_251 = arith.constant 0 : i32
      %dma_wait3A_252 = tpu.memref_slice %arg5[%dma_wait3A_247, %dma_wait3A_251] : memref<16x128xi32, #tpu.memory_space<vmem>> -> memref<1x128xi32, #tpu.memory_space<vmem>>
      %dma_wait3A_253 = tpu.memref_squeeze %dma_wait3A_252 : memref<1x128xi32, #tpu.memory_space<vmem>> -> memref<128xi32, #tpu.memory_space<vmem>>
      %dma_wait3A_254 = arith.constant 0 : i32
      %dma_wait3A_255 = arith.constant 0 : i32
      %dma_wait3A_256 = tpu.memref_slice %arg3[%dma_wait3A_254, %dma_wait3A_255] : memref<1007616x32xf32, #tpu.memory_space<hbm>> -> memref<1007616x32xf32, #tpu.memory_space<hbm>>
      tpu.wait_indirect_dma semaphore(%arg7 : memref<!tpu.dma_semaphore, #tpu.memory_space<semaphore_mem>>) src(%dma_wait3A_256 : memref<1007616x32xf32, #tpu.memory_space<hbm>>) dst(%dma_wait3A_250 : memref<128x32xf32, #tpu.memory_space<vmem>>)
      %dma_wait3A_257 = arith.constant 8 : i32
      %dma_wait3A_258 = arith.constant 1024 : i32
      %dma_wait3A_259 = arith.constant 0 : i32
      %dma_wait3A_260 = tpu.memref_slice %arg6[%dma_wait3A_258, %dma_wait3A_259] : memref<2048x32xf32, #tpu.memory_space<vmem>> -> memref<128x32xf32, #tpu.memory_space<vmem>>
      %dma_wait3A_261 = arith.constant 0 : i32
      %dma_wait3A_262 = tpu.memref_slice %arg5[%dma_wait3A_257, %dma_wait3A_261] : memref<16x128xi32, #tpu.memory_space<vmem>> -> memref<1x128xi32, #tpu.memory_space<vmem>>
      %dma_wait3A_263 = tpu.memref_squeeze %dma_wait3A_262 : memref<1x128xi32, #tpu.memory_space<vmem>> -> memref<128xi32, #tpu.memory_space<vmem>>
      %dma_wait3A_264 = arith.constant 0 : i32
      %dma_wait3A_265 = arith.constant 0 : i32
      %dma_wait3A_266 = tpu.memref_slice %arg3[%dma_wait3A_264, %dma_wait3A_265] : memref<1007616x32xf32, #tpu.memory_space<hbm>> -> memref<1007616x32xf32, #tpu.memory_space<hbm>>
      tpu.wait_indirect_dma semaphore(%arg7 : memref<!tpu.dma_semaphore, #tpu.memory_space<semaphore_mem>>) src(%dma_wait3A_266 : memref<1007616x32xf32, #tpu.memory_space<hbm>>) dst(%dma_wait3A_260 : memref<128x32xf32, #tpu.memory_space<vmem>>)
      %dma_wait3A_267 = arith.constant 9 : i32
      %dma_wait3A_268 = arith.constant 1152 : i32
      %dma_wait3A_269 = arith.constant 0 : i32
      %dma_wait3A_270 = tpu.memref_slice %arg6[%dma_wait3A_268, %dma_wait3A_269] : memref<2048x32xf32, #tpu.memory_space<vmem>> -> memref<128x32xf32, #tpu.memory_space<vmem>>
      %dma_wait3A_271 = arith.constant 0 : i32
      %dma_wait3A_272 = tpu.memref_slice %arg5[%dma_wait3A_267, %dma_wait3A_271] : memref<16x128xi32, #tpu.memory_space<vmem>> -> memref<1x128xi32, #tpu.memory_space<vmem>>
      %dma_wait3A_273 = tpu.memref_squeeze %dma_wait3A_272 : memref<1x128xi32, #tpu.memory_space<vmem>> -> memref<128xi32, #tpu.memory_space<vmem>>
      %dma_wait3A_274 = arith.constant 0 : i32
      %dma_wait3A_275 = arith.constant 0 : i32
      %dma_wait3A_276 = tpu.memref_slice %arg3[%dma_wait3A_274, %dma_wait3A_275] : memref<1007616x32xf32, #tpu.memory_space<hbm>> -> memref<1007616x32xf32, #tpu.memory_space<hbm>>
      tpu.wait_indirect_dma semaphore(%arg7 : memref<!tpu.dma_semaphore, #tpu.memory_space<semaphore_mem>>) src(%dma_wait3A_276 : memref<1007616x32xf32, #tpu.memory_space<hbm>>) dst(%dma_wait3A_270 : memref<128x32xf32, #tpu.memory_space<vmem>>)
      %dma_wait3A_277 = arith.constant 10 : i32
      %dma_wait3A_278 = arith.constant 1280 : i32
      %dma_wait3A_279 = arith.constant 0 : i32
      %dma_wait3A_280 = tpu.memref_slice %arg6[%dma_wait3A_278, %dma_wait3A_279] : memref<2048x32xf32, #tpu.memory_space<vmem>> -> memref<128x32xf32, #tpu.memory_space<vmem>>
      %dma_wait3A_281 = arith.constant 0 : i32
      %dma_wait3A_282 = tpu.memref_slice %arg5[%dma_wait3A_277, %dma_wait3A_281] : memref<16x128xi32, #tpu.memory_space<vmem>> -> memref<1x128xi32, #tpu.memory_space<vmem>>
      %dma_wait3A_283 = tpu.memref_squeeze %dma_wait3A_282 : memref<1x128xi32, #tpu.memory_space<vmem>> -> memref<128xi32, #tpu.memory_space<vmem>>
      %dma_wait3A_284 = arith.constant 0 : i32
      %dma_wait3A_285 = arith.constant 0 : i32
      %dma_wait3A_286 = tpu.memref_slice %arg3[%dma_wait3A_284, %dma_wait3A_285] : memref<1007616x32xf32, #tpu.memory_space<hbm>> -> memref<1007616x32xf32, #tpu.memory_space<hbm>>
      tpu.wait_indirect_dma semaphore(%arg7 : memref<!tpu.dma_semaphore, #tpu.memory_space<semaphore_mem>>) src(%dma_wait3A_286 : memref<1007616x32xf32, #tpu.memory_space<hbm>>) dst(%dma_wait3A_280 : memref<128x32xf32, #tpu.memory_space<vmem>>)
      %dma_wait3A_287 = arith.constant 11 : i32
      %dma_wait3A_288 = arith.constant 1408 : i32
      %dma_wait3A_289 = arith.constant 0 : i32
      %dma_wait3A_290 = tpu.memref_slice %arg6[%dma_wait3A_288, %dma_wait3A_289] : memref<2048x32xf32, #tpu.memory_space<vmem>> -> memref<128x32xf32, #tpu.memory_space<vmem>>
      %dma_wait3A_291 = arith.constant 0 : i32
      %dma_wait3A_292 = tpu.memref_slice %arg5[%dma_wait3A_287, %dma_wait3A_291] : memref<16x128xi32, #tpu.memory_space<vmem>> -> memref<1x128xi32, #tpu.memory_space<vmem>>
      %dma_wait3A_293 = tpu.memref_squeeze %dma_wait3A_292 : memref<1x128xi32, #tpu.memory_space<vmem>> -> memref<128xi32, #tpu.memory_space<vmem>>
      %dma_wait3A_294 = arith.constant 0 : i32
      %dma_wait3A_295 = arith.constant 0 : i32
      %dma_wait3A_296 = tpu.memref_slice %arg3[%dma_wait3A_294, %dma_wait3A_295] : memref<1007616x32xf32, #tpu.memory_space<hbm>> -> memref<1007616x32xf32, #tpu.memory_space<hbm>>
      tpu.wait_indirect_dma semaphore(%arg7 : memref<!tpu.dma_semaphore, #tpu.memory_space<semaphore_mem>>) src(%dma_wait3A_296 : memref<1007616x32xf32, #tpu.memory_space<hbm>>) dst(%dma_wait3A_290 : memref<128x32xf32, #tpu.memory_space<vmem>>)
      %dma_wait3A_297 = arith.constant 12 : i32
      %dma_wait3A_298 = arith.constant 1536 : i32
      %dma_wait3A_299 = arith.constant 0 : i32
      %dma_wait3A_300 = tpu.memref_slice %arg6[%dma_wait3A_298, %dma_wait3A_299] : memref<2048x32xf32, #tpu.memory_space<vmem>> -> memref<128x32xf32, #tpu.memory_space<vmem>>
      %dma_wait3A_301 = arith.constant 0 : i32
      %dma_wait3A_302 = tpu.memref_slice %arg5[%dma_wait3A_297, %dma_wait3A_301] : memref<16x128xi32, #tpu.memory_space<vmem>> -> memref<1x128xi32, #tpu.memory_space<vmem>>
      %dma_wait3A_303 = tpu.memref_squeeze %dma_wait3A_302 : memref<1x128xi32, #tpu.memory_space<vmem>> -> memref<128xi32, #tpu.memory_space<vmem>>
      %dma_wait3A_304 = arith.constant 0 : i32
      %dma_wait3A_305 = arith.constant 0 : i32
      %dma_wait3A_306 = tpu.memref_slice %arg3[%dma_wait3A_304, %dma_wait3A_305] : memref<1007616x32xf32, #tpu.memory_space<hbm>> -> memref<1007616x32xf32, #tpu.memory_space<hbm>>
      tpu.wait_indirect_dma semaphore(%arg7 : memref<!tpu.dma_semaphore, #tpu.memory_space<semaphore_mem>>) src(%dma_wait3A_306 : memref<1007616x32xf32, #tpu.memory_space<hbm>>) dst(%dma_wait3A_300 : memref<128x32xf32, #tpu.memory_space<vmem>>)
      %dma_wait3A_307 = arith.constant 13 : i32
      %dma_wait3A_308 = arith.constant 1664 : i32
      %dma_wait3A_309 = arith.constant 0 : i32
      %dma_wait3A_310 = tpu.memref_slice %arg6[%dma_wait3A_308, %dma_wait3A_309] : memref<2048x32xf32, #tpu.memory_space<vmem>> -> memref<128x32xf32, #tpu.memory_space<vmem>>
      %dma_wait3A_311 = arith.constant 0 : i32
      %dma_wait3A_312 = tpu.memref_slice %arg5[%dma_wait3A_307, %dma_wait3A_311] : memref<16x128xi32, #tpu.memory_space<vmem>> -> memref<1x128xi32, #tpu.memory_space<vmem>>
      %dma_wait3A_313 = tpu.memref_squeeze %dma_wait3A_312 : memref<1x128xi32, #tpu.memory_space<vmem>> -> memref<128xi32, #tpu.memory_space<vmem>>
      %dma_wait3A_314 = arith.constant 0 : i32
      %dma_wait3A_315 = arith.constant 0 : i32
      %dma_wait3A_316 = tpu.memref_slice %arg3[%dma_wait3A_314, %dma_wait3A_315] : memref<1007616x32xf32, #tpu.memory_space<hbm>> -> memref<1007616x32xf32, #tpu.memory_space<hbm>>
      tpu.wait_indirect_dma semaphore(%arg7 : memref<!tpu.dma_semaphore, #tpu.memory_space<semaphore_mem>>) src(%dma_wait3A_316 : memref<1007616x32xf32, #tpu.memory_space<hbm>>) dst(%dma_wait3A_310 : memref<128x32xf32, #tpu.memory_space<vmem>>)
      %dma_wait3A_317 = arith.constant 14 : i32
      %dma_wait3A_318 = arith.constant 1792 : i32
      %dma_wait3A_319 = arith.constant 0 : i32
      %dma_wait3A_320 = tpu.memref_slice %arg6[%dma_wait3A_318, %dma_wait3A_319] : memref<2048x32xf32, #tpu.memory_space<vmem>> -> memref<128x32xf32, #tpu.memory_space<vmem>>
      %dma_wait3A_321 = arith.constant 0 : i32
      %dma_wait3A_322 = tpu.memref_slice %arg5[%dma_wait3A_317, %dma_wait3A_321] : memref<16x128xi32, #tpu.memory_space<vmem>> -> memref<1x128xi32, #tpu.memory_space<vmem>>
      %dma_wait3A_323 = tpu.memref_squeeze %dma_wait3A_322 : memref<1x128xi32, #tpu.memory_space<vmem>> -> memref<128xi32, #tpu.memory_space<vmem>>
      %dma_wait3A_324 = arith.constant 0 : i32
      %dma_wait3A_325 = arith.constant 0 : i32
      %dma_wait3A_326 = tpu.memref_slice %arg3[%dma_wait3A_324, %dma_wait3A_325] : memref<1007616x32xf32, #tpu.memory_space<hbm>> -> memref<1007616x32xf32, #tpu.memory_space<hbm>>
      tpu.wait_indirect_dma semaphore(%arg7 : memref<!tpu.dma_semaphore, #tpu.memory_space<semaphore_mem>>) src(%dma_wait3A_326 : memref<1007616x32xf32, #tpu.memory_space<hbm>>) dst(%dma_wait3A_320 : memref<128x32xf32, #tpu.memory_space<vmem>>)
      %dma_wait3A_327 = arith.constant 15 : i32
      %dma_wait3A_328 = arith.constant 1920 : i32
      %dma_wait3A_329 = arith.constant 0 : i32
      %dma_wait3A_330 = tpu.memref_slice %arg6[%dma_wait3A_328, %dma_wait3A_329] : memref<2048x32xf32, #tpu.memory_space<vmem>> -> memref<128x32xf32, #tpu.memory_space<vmem>>
      %dma_wait3A_331 = arith.constant 0 : i32
      %dma_wait3A_332 = tpu.memref_slice %arg5[%dma_wait3A_327, %dma_wait3A_331] : memref<16x128xi32, #tpu.memory_space<vmem>> -> memref<1x128xi32, #tpu.memory_space<vmem>>
      %dma_wait3A_333 = tpu.memref_squeeze %dma_wait3A_332 : memref<1x128xi32, #tpu.memory_space<vmem>> -> memref<128xi32, #tpu.memory_space<vmem>>
      %dma_wait3A_334 = arith.constant 0 : i32
      %dma_wait3A_335 = arith.constant 0 : i32
      %dma_wait3A_336 = tpu.memref_slice %arg3[%dma_wait3A_334, %dma_wait3A_335] : memref<1007616x32xf32, #tpu.memory_space<hbm>> -> memref<1007616x32xf32, #tpu.memory_space<hbm>>
      tpu.wait_indirect_dma semaphore(%arg7 : memref<!tpu.dma_semaphore, #tpu.memory_space<semaphore_mem>>) src(%dma_wait3A_336 : memref<1007616x32xf32, #tpu.memory_space<hbm>>) dst(%dma_wait3A_330 : memref<128x32xf32, #tpu.memory_space<vmem>>)
      "tpu.region"() ({
        %run_scoped3A = tpu.sem_alloc : memref<!tpu.dma_semaphore, #tpu.memory_space<semaphore_mem>>
        %dma_start3A_337 = arith.constant 0 : i32
        %dma_start3A_338 = arith.constant 0 : i32
        %dma_start3A_339 = tpu.memref_slice %arg6[%dma_start3A_337, %dma_start3A_338] : memref<2048x32xf32, #tpu.memory_space<vmem>> -> memref<512x32xf32, #tpu.memory_space<vmem>>
        %dma_start3A_340 = arith.constant 0 : i32
        %dma_start3A_341 = tpu.memref_slice %arg4[%mul3A_16, %dma_start3A_340] : memref<163840x128xf32, #tpu.memory_space<hbm>> -> memref<512x32xf32, #tpu.memory_space<hbm>>
        %dma_start3A_342 = arith.constant 0 : i32
        %dma_start3A_343 = tpu.memref_slice %arg4[%mul3A_16, %dma_start3A_342] : memref<163840x128xf32, #tpu.memory_space<hbm>> -> memref<512x32xf32, #tpu.memory_space<hbm>>
        %dma_start3A_344 = arith.constant 0 : i32
        %dma_start3A_345 = arith.constant 0 : i32
        %dma_start3A_346 = tpu.memref_slice %arg6[%dma_start3A_344, %dma_start3A_345] : memref<2048x32xf32, #tpu.memory_space<vmem>> -> memref<512x32xf32, #tpu.memory_space<vmem>>
        tpu.enqueue_dma source(%dma_start3A_346 : memref<512x32xf32, #tpu.memory_space<vmem>>) target(%dma_start3A_343 : memref<512x32xf32, #tpu.memory_space<hbm>>) target_semaphore(%run_scoped3A : memref<!tpu.dma_semaphore, #tpu.memory_space<semaphore_mem>>)
        %dma_wait3A_347 = arith.constant 0 : i32
        %dma_wait3A_348 = arith.constant 0 : i32
        %dma_wait3A_349 = tpu.memref_slice %arg6[%dma_wait3A_347, %dma_wait3A_348] : memref<2048x32xf32, #tpu.memory_space<vmem>> -> memref<512x32xf32, #tpu.memory_space<vmem>>
        %dma_wait3A_350 = arith.constant 0 : i32
        %dma_wait3A_351 = tpu.memref_slice %arg4[%mul3A_16, %dma_wait3A_350] : memref<163840x128xf32, #tpu.memory_space<hbm>> -> memref<512x32xf32, #tpu.memory_space<hbm>>
        %dma_wait3A_352 = arith.constant 0 : i32
        %dma_wait3A_353 = tpu.memref_slice %arg4[%mul3A_16, %dma_wait3A_352] : memref<163840x128xf32, #tpu.memory_space<hbm>> -> memref<512x32xf32, #tpu.memory_space<hbm>>
        %dma_wait3A_354 = arith.constant 0 : i32
        %dma_wait3A_355 = arith.constant 0 : i32
        %dma_wait3A_356 = tpu.memref_slice %arg6[%dma_wait3A_354, %dma_wait3A_355] : memref<2048x32xf32, #tpu.memory_space<vmem>> -> memref<512x32xf32, #tpu.memory_space<vmem>>
        tpu.wait_dma2 semaphore(%run_scoped3A : memref<!tpu.dma_semaphore, #tpu.memory_space<semaphore_mem>>) src(%dma_wait3A_356 : memref<512x32xf32, #tpu.memory_space<vmem>>) dst(%dma_wait3A_353 : memref<512x32xf32, #tpu.memory_space<hbm>>)
        tpu.yield
      }) : () -> ()
      "tpu.region"() ({
        %run_scoped3A = tpu.sem_alloc : memref<!tpu.dma_semaphore, #tpu.memory_space<semaphore_mem>>
        %dma_start3A_337 = arith.constant 512 : i32
        %dma_start3A_338 = arith.constant 0 : i32
        %dma_start3A_339 = tpu.memref_slice %arg6[%dma_start3A_337, %dma_start3A_338] : memref<2048x32xf32, #tpu.memory_space<vmem>> -> memref<512x32xf32, #tpu.memory_space<vmem>>
        %dma_start3A_340 = arith.constant 32 : i32
        %dma_start3A_341 = tpu.memref_slice %arg4[%mul3A_16, %dma_start3A_340] : memref<163840x128xf32, #tpu.memory_space<hbm>> -> memref<512x32xf32, #tpu.memory_space<hbm>>
        %dma_start3A_342 = arith.constant 32 : i32
        %dma_start3A_343 = tpu.memref_slice %arg4[%mul3A_16, %dma_start3A_342] : memref<163840x128xf32, #tpu.memory_space<hbm>> -> memref<512x32xf32, #tpu.memory_space<hbm>>
        %dma_start3A_344 = arith.constant 512 : i32
        %dma_start3A_345 = arith.constant 0 : i32
        %dma_start3A_346 = tpu.memref_slice %arg6[%dma_start3A_344, %dma_start3A_345] : memref<2048x32xf32, #tpu.memory_space<vmem>> -> memref<512x32xf32, #tpu.memory_space<vmem>>
        tpu.enqueue_dma source(%dma_start3A_346 : memref<512x32xf32, #tpu.memory_space<vmem>>) target(%dma_start3A_343 : memref<512x32xf32, #tpu.memory_space<hbm>>) target_semaphore(%run_scoped3A : memref<!tpu.dma_semaphore, #tpu.memory_space<semaphore_mem>>)
        %dma_wait3A_347 = arith.constant 512 : i32
        %dma_wait3A_348 = arith.constant 0 : i32
        %dma_wait3A_349 = tpu.memref_slice %arg6[%dma_wait3A_347, %dma_wait3A_348] : memref<2048x32xf32, #tpu.memory_space<vmem>> -> memref<512x32xf32, #tpu.memory_space<vmem>>
        %dma_wait3A_350 = arith.constant 32 : i32
        %dma_wait3A_351 = tpu.memref_slice %arg4[%mul3A_16, %dma_wait3A_350] : memref<163840x128xf32, #tpu.memory_space<hbm>> -> memref<512x32xf32, #tpu.memory_space<hbm>>
        %dma_wait3A_352 = arith.constant 32 : i32
        %dma_wait3A_353 = tpu.memref_slice %arg4[%mul3A_16, %dma_wait3A_352] : memref<163840x128xf32, #tpu.memory_space<hbm>> -> memref<512x32xf32, #tpu.memory_space<hbm>>
        %dma_wait3A_354 = arith.constant 512 : i32
        %dma_wait3A_355 = arith.constant 0 : i32
        %dma_wait3A_356 = tpu.memref_slice %arg6[%dma_wait3A_354, %dma_wait3A_355] : memref<2048x32xf32, #tpu.memory_space<vmem>> -> memref<512x32xf32, #tpu.memory_space<vmem>>
        tpu.wait_dma2 semaphore(%run_scoped3A : memref<!tpu.dma_semaphore, #tpu.memory_space<semaphore_mem>>) src(%dma_wait3A_356 : memref<512x32xf32, #tpu.memory_space<vmem>>) dst(%dma_wait3A_353 : memref<512x32xf32, #tpu.memory_space<hbm>>)
        tpu.yield
      }) : () -> ()
      "tpu.region"() ({
        %run_scoped3A = tpu.sem_alloc : memref<!tpu.dma_semaphore, #tpu.memory_space<semaphore_mem>>
        %dma_start3A_337 = arith.constant 1024 : i32
        %dma_start3A_338 = arith.constant 0 : i32
        %dma_start3A_339 = tpu.memref_slice %arg6[%dma_start3A_337, %dma_start3A_338] : memref<2048x32xf32, #tpu.memory_space<vmem>> -> memref<512x32xf32, #tpu.memory_space<vmem>>
        %dma_start3A_340 = arith.constant 64 : i32
        %dma_start3A_341 = tpu.memref_slice %arg4[%mul3A_16, %dma_start3A_340] : memref<163840x128xf32, #tpu.memory_space<hbm>> -> memref<512x32xf32, #tpu.memory_space<hbm>>
        %dma_start3A_342 = arith.constant 64 : i32
        %dma_start3A_343 = tpu.memref_slice %arg4[%mul3A_16, %dma_start3A_342] : memref<163840x128xf32, #tpu.memory_space<hbm>> -> memref<512x32xf32, #tpu.memory_space<hbm>>
        %dma_start3A_344 = arith.constant 1024 : i32
        %dma_start3A_345 = arith.constant 0 : i32
        %dma_start3A_346 = tpu.memref_slice %arg6[%dma_start3A_344, %dma_start3A_345] : memref<2048x32xf32, #tpu.memory_space<vmem>> -> memref<512x32xf32, #tpu.memory_space<vmem>>
        tpu.enqueue_dma source(%dma_start3A_346 : memref<512x32xf32, #tpu.memory_space<vmem>>) target(%dma_start3A_343 : memref<512x32xf32, #tpu.memory_space<hbm>>) target_semaphore(%run_scoped3A : memref<!tpu.dma_semaphore, #tpu.memory_space<semaphore_mem>>)
        %dma_wait3A_347 = arith.constant 1024 : i32
        %dma_wait3A_348 = arith.constant 0 : i32
        %dma_wait3A_349 = tpu.memref_slice %arg6[%dma_wait3A_347, %dma_wait3A_348] : memref<2048x32xf32, #tpu.memory_space<vmem>> -> memref<512x32xf32, #tpu.memory_space<vmem>>
        %dma_wait3A_350 = arith.constant 64 : i32
        %dma_wait3A_351 = tpu.memref_slice %arg4[%mul3A_16, %dma_wait3A_350] : memref<163840x128xf32, #tpu.memory_space<hbm>> -> memref<512x32xf32, #tpu.memory_space<hbm>>
        %dma_wait3A_352 = arith.constant 64 : i32
        %dma_wait3A_353 = tpu.memref_slice %arg4[%mul3A_16, %dma_wait3A_352] : memref<163840x128xf32, #tpu.memory_space<hbm>> -> memref<512x32xf32, #tpu.memory_space<hbm>>
        %dma_wait3A_354 = arith.constant 1024 : i32
        %dma_wait3A_355 = arith.constant 0 : i32
        %dma_wait3A_356 = tpu.memref_slice %arg6[%dma_wait3A_354, %dma_wait3A_355] : memref<2048x32xf32, #tpu.memory_space<vmem>> -> memref<512x32xf32, #tpu.memory_space<vmem>>
        tpu.wait_dma2 semaphore(%run_scoped3A : memref<!tpu.dma_semaphore, #tpu.memory_space<semaphore_mem>>) src(%dma_wait3A_356 : memref<512x32xf32, #tpu.memory_space<vmem>>) dst(%dma_wait3A_353 : memref<512x32xf32, #tpu.memory_space<hbm>>)
        tpu.yield
      }) : () -> ()
      "tpu.region"() ({
        %run_scoped3A = tpu.sem_alloc : memref<!tpu.dma_semaphore, #tpu.memory_space<semaphore_mem>>
        %dma_start3A_337 = arith.constant 1536 : i32
        %dma_start3A_338 = arith.constant 0 : i32
        %dma_start3A_339 = tpu.memref_slice %arg6[%dma_start3A_337, %dma_start3A_338] : memref<2048x32xf32, #tpu.memory_space<vmem>> -> memref<512x32xf32, #tpu.memory_space<vmem>>
        %dma_start3A_340 = arith.constant 96 : i32
        %dma_start3A_341 = tpu.memref_slice %arg4[%mul3A_16, %dma_start3A_340] : memref<163840x128xf32, #tpu.memory_space<hbm>> -> memref<512x32xf32, #tpu.memory_space<hbm>>
        %dma_start3A_342 = arith.constant 96 : i32
        %dma_start3A_343 = tpu.memref_slice %arg4[%mul3A_16, %dma_start3A_342] : memref<163840x128xf32, #tpu.memory_space<hbm>> -> memref<512x32xf32, #tpu.memory_space<hbm>>
        %dma_start3A_344 = arith.constant 1536 : i32
        %dma_start3A_345 = arith.constant 0 : i32
        %dma_start3A_346 = tpu.memref_slice %arg6[%dma_start3A_344, %dma_start3A_345] : memref<2048x32xf32, #tpu.memory_space<vmem>> -> memref<512x32xf32, #tpu.memory_space<vmem>>
        tpu.enqueue_dma source(%dma_start3A_346 : memref<512x32xf32, #tpu.memory_space<vmem>>) target(%dma_start3A_343 : memref<512x32xf32, #tpu.memory_space<hbm>>) target_semaphore(%run_scoped3A : memref<!tpu.dma_semaphore, #tpu.memory_space<semaphore_mem>>)
        %dma_wait3A_347 = arith.constant 1536 : i32
        %dma_wait3A_348 = arith.constant 0 : i32
        %dma_wait3A_349 = tpu.memref_slice %arg6[%dma_wait3A_347, %dma_wait3A_348] : memref<2048x32xf32, #tpu.memory_space<vmem>> -> memref<512x32xf32, #tpu.memory_space<vmem>>
        %dma_wait3A_350 = arith.constant 96 : i32
        %dma_wait3A_351 = tpu.memref_slice %arg4[%mul3A_16, %dma_wait3A_350] : memref<163840x128xf32, #tpu.memory_space<hbm>> -> memref<512x32xf32, #tpu.memory_space<hbm>>
        %dma_wait3A_352 = arith.constant 96 : i32
        %dma_wait3A_353 = tpu.memref_slice %arg4[%mul3A_16, %dma_wait3A_352] : memref<163840x128xf32, #tpu.memory_space<hbm>> -> memref<512x32xf32, #tpu.memory_space<hbm>>
        %dma_wait3A_354 = arith.constant 1536 : i32
        %dma_wait3A_355 = arith.constant 0 : i32
        %dma_wait3A_356 = tpu.memref_slice %arg6[%dma_wait3A_354, %dma_wait3A_355] : memref<2048x32xf32, #tpu.memory_space<vmem>> -> memref<512x32xf32, #tpu.memory_space<vmem>>
        tpu.wait_dma2 semaphore(%run_scoped3A : memref<!tpu.dma_semaphore, #tpu.memory_space<semaphore_mem>>) src(%dma_wait3A_356 : memref<512x32xf32, #tpu.memory_space<vmem>>) dst(%dma_wait3A_353 : memref<512x32xf32, #tpu.memory_space<hbm>>)
        tpu.yield
      }) : () -> ()
    }
    %scan3A_9 = arith.constant 10 : i32
    return
  }
}

</mosaic_0001>

<sc_bundles>
// kernel: _gather_rows.3.cloned.1.call-start
scs
__scs_entry_jumppad:
0x0: {  	(pc) =	sbr.rel $0x88, $3  }
0x1: {  	(tag) =	ssettag $0x0;
	lr =	simm.s32 $0x1  }
0x2: {  	[smem:$0x3F9F] =	sst lr;
	_ =	strace $0xD0000000  }
0x3: {  	_ = 	snop  }
0x4: {  	_ = 	snop  }
0x5: {  	_ = 	snop  }
0x6: {  	_ = 	snop  }
0x7: {  	_ = 	snop  }
__scs_overlays_trampoline_lowered:
0x8: {  	[smem:$0x3FAE] =	sst s0  }
0x9: {  	[smem:$0x3FAF] =	sst s1  }
0xa: {  	[smem:$0x3FB0] =	sst s2  }
0xb: {  	[smem:$0x3FB1] =	sst s3  }
0xc: {  	[smem:$0x3FB2] =	sst s4  }
0xd: {  	[smem:$0x3FB3] =	sst s5  }
0xe: {  	[smem:$0x3FB4] =	sst s6  }
0xf: {  	[smem:$0x3FB5] =	sst s7  }
0x10: {  	[smem:$0x3FB6] =	sst s8  }
0x11: {  	[smem:$0x3FB7] =	sst s9;
	s0 =	simm.s32 @!p0 $0x0  }
0x12: {  	s1 =	sld [smem:$0x3F9D];
	s0 =	simm.s32 @p0 $0x1  }
0x13: {  	[smem:$0x3FB8] =	sst s0;
	s0 =	simm.s32 @!p1 $0x0  }
0x14: {  	s2 =	sld [smem:$0x3F9C];
	s0 =	simm.s32 @p1 $0x1  }
0x15: {  	[smem:$0x3FB9] =	sst s0;
	s0 =	simm.s32 @!p2 $0x0  }
0x16: {  	s3 =	sld [smem:$0x3FDB];
	s0 =	simm.s32 @p2 $0x1  }
0x17: {  	s4 =	simm.s32 $0x1BF5;
	[smem:$0x3FBB] =	sst s0  }
0x18: {  	s0 =	sld [smem:$0x3F9E];
	_ =	swait.ge [sflag:s4], $0x0  }
0x19: {  	s7 =	sld [smem:$0x3F9F]  }
0x1a: {  	s8 =	sadd.s32 $0xFFFFE003, lr  }
0x1b: {  	s9 =	sadd.s32 $0xFFFFFEF7, lr;
	s5 =	simm.s32 $0xFFFFFFFF;
	p2 =	slt.u32 s8, $0xFFFFF086  }
0x1c: {  	p1 =	slt.u32 s9, $0xF7A;
	s5 =	simm.s32 @!p2 $0x0  }
0x1d: {  	s5 =	simm.s32 @p1 $0x1;
	p0 =	seq.s32 s7, s2  }
0x1e: {  	s7 =	smul.u32 @!p0 $0xF7A, s2;
	p2 =	seq.s32 @!p0 s5, $0x0  }
0x1f: {  	s9 =	smul.u32 $0xF7A, s1;
	s8 =	simm.s32 @!p0 $0x1BF5;
	p2 =	por !p2, p0  }
0x20: {  	[sflag:s8] =	ssyncset.s32 @!p0 $0xFFFFF086;
	s6 =	sadd.s32 @!p0 s3, s7;
	s7 =	simm.s32 @!p0 $0x108  }
0x21: {  	s3 =	sadd.s32 s3, s9;
	s6 =	sadd.s32 @!p0 $0x88, s6;
	s7 =	simm.s32 @p2 $0x1082  }
0x22: {  	[simem:s7], [sflag:s8] =	dma.local @!p0 [hbm:s6], $0xF7A  }
0x23: {  	s9 =	sor.u32 $0xD0000000, s2;
	s6 =	simm.s32 $0x108;
	_ =	swait.ge @!p0 [sflag:s8], $0x0  }
0x24: {  	s3 =	sadd.s32 $0x88, s3;
	s6 =	simm.s32 @!p1 $0x1082;
	[sflag:s4] =	ssyncset.s32 $0xFFFFF086  }
0x25: {  	[simem:s6], [sflag:s4] =	dma.local [hbm:s3], $0xF7A  }
0x26: {  	[smem:$0x3F9F] =	sst s1;
	(tag) =	ssettag s2;
	_ =	strace s9  }
0x27: {  	s1 =	sld [smem:$0x3FAF]  }
0x28: {  	s2 =	sld [smem:$0x3FB0]  }
0x29: {  	s4 =	sld [smem:$0x3FB2]  }
0x2a: {  	p0 =	seq.s32 s5, $0x0;
	s5 =	sld [smem:$0x3FB3]  }
0x2b: {  	s6 =	sld [smem:$0x3FB4]  }
0x2c: {  	s7 =	sld [smem:$0x3FB5]  }
0x2d: {  	s3 =	simm.s32 $0x108;
	s8 =	sld [smem:$0x3FB6]  }
0x2e: {  	s3 =	simm.s32 @!p0 $0x1082;
	s9 =	sld [smem:$0x3FB7]  }
0x2f: {  	lr =	sadd.s32 s0, s3;
	s0 =	sld [smem:$0x3FAE]  }
0x30: {  	s3 =	sld [smem:$0x3FB1]  }
0x31: {  	[smem:$0x3FBA] =	sst s10  }
0x32: {  	s10 =	sld [smem:$0x3FB8];
	_ =	sdelay $0x3  }
0x33: {  	p0 =	seq.s32 s10, $0x1;
	s10 =	sld [smem:$0x3FBA];
	_ =	sdelay $0x3  }
0x34: {  	[smem:$0x3FBA] =	sst s10  }
0x35: {  	s10 =	sld [smem:$0x3FB9];
	_ =	sdelay $0x3  }
0x36: {  	p1 =	seq.s32 s10, $0x1;
	s10 =	sld [smem:$0x3FBA];
	_ =	sdelay $0x3  }
0x37: {  	[smem:$0x3FBA] =	sst s10  }
0x38: {  	s10 =	sld [smem:$0x3FBB]  }
0x39: {  	_ = 	snop;
	(pc) =	sbr.ind lr, $3  }
0x3a: {  	_ = 	snop  }
0x3b: {  	_ = 	snop  }
0x3c: {  	p2 =	seq.s32 s10, $0x1;
	s10 =	sld [smem:$0x3FBA]  }
0x3d: {  	_ =	shalt  }
0x3e: {  	_ =	shalt  }
0x3f: {  	_ =	shalt  }
0x40: {  	_ =	shalt  }
0x41: {  	_ =	shalt  }
0x42: {  	_ =	shalt  }
0x43: {  	_ =	shalt  }
0x44: {  	_ =	shalt  }
0x45: {  	_ =	shalt  }
0x46: {  	_ =	shalt  }
0x47: {  	_ =	shalt  }
0x48: {  	_ =	shalt  }
0x49: {  	_ =	shalt  }
0x4a: {  	_ =	shalt  }
0x4b: {  	_ =	shalt  }
0x4c: {  	_ =	shalt  }
0x4d: {  	_ =	shalt  }
0x4e: {  	_ =	shalt  }
0x4f: {  	_ =	shalt  }
0x50: {  	_ =	shalt  }
0x51: {  	_ =	shalt  }
0x52: {  	_ =	shalt  }
0x53: {  	_ =	shalt  }
0x54: {  	_ =	shalt  }
0x55: {  	_ =	shalt  }
0x56: {  	_ =	shalt  }
0x57: {  	_ =	shalt  }
0x58: {  	_ =	shalt  }
0x59: {  	_ =	shalt  }
0x5a: {  	_ =	shalt  }
0x5b: {  	_ =	shalt  }
0x5c: {  	_ =	shalt  }
0x5d: {  	_ =	shalt  }
0x5e: {  	_ =	shalt  }
0x5f: {  	_ =	shalt  }
0x60: {  	_ =	shalt  }
0x61: {  	_ =	shalt  }
0x62: {  	_ =	shalt  }
0x63: {  	_ =	shalt  }
0x64: {  	_ =	shalt  }
0x65: {  	_ =	shalt  }
0x66: {  	_ =	shalt  }
0x67: {  	_ =	shalt  }
0x68: {  	_ =	shalt  }
0x69: {  	_ =	shalt  }
0x6a: {  	_ =	shalt  }
0x6b: {  	_ =	shalt  }
0x6c: {  	_ =	shalt  }
0x6d: {  	_ =	shalt  }
0x6e: {  	_ =	shalt  }
0x6f: {  	_ =	shalt  }
0x70: {  	_ =	shalt  }
0x71: {  	_ =	shalt  }
0x72: {  	_ =	shalt  }
0x73: {  	_ =	shalt  }
0x74: {  	_ =	shalt  }
0x75: {  	_ =	shalt  }
0x76: {  	_ =	shalt  }
0x77: {  	_ =	shalt  }
0x78: {  	_ =	shalt  }
0x79: {  	_ =	shalt  }
0x7a: {  	_ =	shalt  }
0x7b: {  	_ =	shalt  }
0x7c: {  	_ =	shalt  }
0x7d: {  	_ =	shalt  }
0x7e: {  	_ =	shalt  }
0x7f: {  	_ =	shalt  }
0x80: {  	_ =	shalt  }
0x81: {  	_ =	shalt  }
0x82: {  	_ =	shalt  }
0x83: {  	_ =	shalt  }
0x84: {  	_ =	shalt  }
0x85: {  	_ =	shalt  }
0x86: {  	_ =	shalt  }
0x87: {  	_ =	shalt  }
.Lfunc_end0:
.L_simem_size_0:
called_computation_lowered:
.L_overlay_start_0:
0x88: {  	s2 =	sld [smem:$0x3FD9]  }
0x89: {  	s3 =	sld [smem:$0x3FFE];
	_ =	sdelay $0x1  }
0x8a: {  	s1 =	srdreg.scid  }
0x8b: {  	s0 =	sand.u32 $0x1, s1  }
0x8c: {  	s17 =	sshll.u32 s0, $0xA;
	s2 =	sadd.s32 s3, s2  }
0x8d: {  	s2 =	sadd.s32 s2, s17  }
0x8e: {  	[smem:$0x3FC6] =	sst s2  }
0x8f: {  	_ = 	snop  }
0x90: {  	s2 =	sld [smem:$0x3FC9]  }
0x91: {  	s18 =	sld [smem:$0x3FD0];
	(tm) =	ssettm $0x1  }
0x92: {  	s4 =	sld [smem:$0x3FFB];
	_ =	sdelay $0x3  }
0x93: {  	_ =	strace s4  }
0x94: {  	s4 =	sld [smem:$0x3FFC];
	_ =	sdelay $0x3  }
0x95: {  	_ =	strace s4  }
0x96: {  	s4 =	sld [smem:$0x3FFD];
	_ =	sdelay $0x3  }
0x97: {  	_ =	strace s4  }
0x98: {  	_ =	strace $0x8FFFFFFF  }
0x99: {  	s19 =	sld [smem:$0x3FDB];
	_ =	sdelay $0x1  }
0x9a: {  	s5 =	simm.s32 $_scs_section_size  }
0x9b: {  	s6 =	simm.s32 $_size__tile_overlayer_lowered;
	s7 =	simm.s32 $_tile_overlayer_lowered  }
0x9c: {  	s22 =	simm.s32 $0x1BFF;
	s21 =	sshll.u32 s7, $0x1;
	s4 =	sadd.s32 s5, s19  }
0x9d: {  	s8 =	simm.s32 $0x0;
	s20 =	sshll.u32 s6, $0x1;
	s6 =	sadd.s32 s21, s4  }
0x9e: {  	[timem:s8], [sflag:s22] =	dma.local [hbm:s6], s20  }
0x9f: {  	_ =	swait.ge [sflag:s22], s20  }
0xa0: {  	s5 =	ssub.s32 $0x0, s20;
	[sflag:s22] =	ssyncset.done $0x0  }
0xa1: {  	[sflag:s22] =	ssyncadd.s32 s5;
	_ =	sdelay $0x1  }
0xa2: {  	s23 =	simm.s32 $0x1B8B  }
0xa3: {  	_ =	swait.ge [sflag:s23], $0x1  }
0xa4: {  	[sflag:s23] =	ssyncset.done $0x0  }
0xa5: {  	s25 =	simm.s32 $0x1B8E;
	s24 =	sld [smem:$0x3FFE];
	[sflag:s23] =	ssyncadd.s32 $0xFFFFFFFF  }
0xa6: {  	s26 =	simm.s32 $execute0_lowered;
	[smem:$0x3FD2] =	sst s25  }
0xa7: {  	s6 =	sshll.u32 s26, $0x1;
	_ =	strace $0x80000046;
	[dreg:$0x1] =	wrdreg $0xFFFFFFFF  }
0xa8: {  	s28 =	simm.s32 $_size_execute0_lowered;
	s4 =	sadd.s32 s4, s6;
	[dreg:$0x0] =	wrdreg $0x0  }
0xa9: {  	s6 =	sshll.u32 s28, $0x1;
	[dreg:$0x2] =	wrdreg s4  }
0xaa: {  	[dreg:$0x3] =	wrdreg s6  }
0xab: {  	[dreg:$0x4] =	wrdreg $0xC0  }
0xac: {  	_ =	task [dreg:s8], $0x5FFFF  }
0xad: {  	[dreg:$0x1] =	wrdreg $0xFFFFFFFF  }
0xae: {  	[dreg:$0x0] =	wrdreg $0x60  }
0xaf: {  	[dreg:$0x2] =	wrdreg s2  }
0xb0: {  	[dreg:$0x3] =	wrdreg s24  }
0xb1: {  	[dreg:$0x4] =	wrdreg s18  }
0xb2: {  	[dreg:$0x5] =	wrdreg $0x9  }
0xb3: {  	_ =	task.clear_ibuf [dreg:s8], $0x6FFFF;
	_ =	strace $0x90000046  }
0xb4: {  	s29 =	simm.s32 $0x9;
	_ =	strace $0x80000048  }
0xb5: {  	_ =	swait.ge [sflag:s29], $0x1  }
0xb6: {  	[sflag:s29] =	ssyncadd.s32 $0xFFFFFFFF  }
0xb7: {  	_ =	strace $0x90000048  }
0xb8: {  	_ =	sfence  }
0xb9: {  	s30 =	sld [smem:$0x0];
	_ =	sdelay $0x2  }
0xba: {  	s31 =	sshll.u32 s1, $0xD;
	s1 =	sshrl.u32 s1, $0x2  }
0xbb: {  	s3 =	sand.u32 $0x4000, s31;
	s1 =	sadd.s32 s1, s30  }
0xbc: {  	s0 =	sor.u32 s3, s0;
	s1 =	sshll.u32 s1, $0x11  }
0xbd: {  	s0 =	sor.u32 s1, s0  }
0xbe: {  	s0 =	sadd.s32 $0x8F2B, s0  }
0xbf: {  	[sflag:s0] =	ssyncadd.remote.s32 $0x1  }
0xc0: {  	_ =	sfence.sel $0xFFFF  }
0xc1: {  	[dreg:$0x0] =	wrdreg $0xFFFFFFFF;
	(pc) =	sbr.abs _section_cstart, $3  }
0xc2: {  	[dreg:$0x1] =	wrdreg $0xFFFFFFFF  }
0xc3: {  	_ =	task.clear_ibuf [dreg:s8], $0x2FFFF;
	_ =	strace $0x9FFFFFFF  }
0xc4: {  	(tm) =	ssettm $0x7FFFFFFF  }
0xc5: {  	_ =	shalt  }
tec
execute0_lowered:
.L_overlay_start_1:
0x0: {  	(tag) =	ssettag $0x1  }
0x1: {  	s0 =	rddreg [dreg:$0x0]  }
0x2: {  	s1 =	rddreg [dreg:$0x1];
	s2 =	srdreg.scid  }
0x3: {  	s7 =	stileid.u32;
	s3 =	rddreg [dreg:$0x2];
	s15 =	simm.s32 $0x1800  }
0x4: {  	s17 =	simm.s32 $0x100;
	s19 =	simm.s32 $0x2800;
	s20 =	simm.s32 $0x180  }
0x5: {  	s21 =	simm.s32 $0x3800;
	s5 =	sand.u32 $0x1, s2;
	s2 =	simm.s32 $0x0  }
0x6: {  	s23 =	simm.s32 $0x200;
	s24 =	simm.s32 $0x280;
	[smem:$0x7FF] =	sst s2  }
0x7: {  	s25 =	simm.s32 $0x5800;
	_ =	strace $0x80000047;
	[dreg:$0x5] =	wrdreg s15  }
0x8: {  	s26 =	simm.s32 $0x300;
	s29 =	simm.s32 $0x6800;
	[dreg:$0x6] =	wrdreg s17  }
0x9: {  	s30 =	simm.s32 $0x380;
	s8 =	simm.s32 $0x800;
	[dreg:$0x7] =	wrdreg s19  }
0xa: {  	s31 =	simm.s32 $0x7800;
	s9 =	simm.s32 $0x4800;
	[dreg:$0x8] =	wrdreg s20  }
0xb: {  	s11 =	simm.s32 $0x8800;
	s10 =	simm.s32 $0x480;
	[dreg:$0x9] =	wrdreg s21  }
0xc: {  	s12 =	simm.s32 $0x9800;
	s14 =	simm.s32 $0x500;
	[dreg:$0xa] =	wrdreg s23  }
0xd: {  	s28 =	simm.s32 $0x20;
	s4 =	smul.u32 $0x28000, s7;
	[dreg:$0xb] =	wrdreg s24  }
0xe: {  	s22 =	smul.u32 $0x1400, s7;
	s7 =	simm.s32 $0x80;
	[dreg:$0xc] =	wrdreg s25  }
0xf: {  	s6 =	smul.u32 $0x14000, s5;
	s16 =	ssub.s32 $0x2, s5;
	[dreg:$0xd] =	wrdreg s26  }
0x10: {  	s5 =	smul.u32 $0xA00, s5;
	s3 =	sadd.s32 s4, s3;
	[dreg:$0xe] =	wrdreg s29  }
0x11: {  	s18 =	sshrl.u32 s16, $0x1;
	s0 =	sadd.s32 s22, s0;
	[dreg:$0xf] =	wrdreg s30  }
0x12: {  	[dreg:$0x10] =	wrdreg s31;
	s15 =	simm.s32 $0xA800;
	s17 =	simm.s32 $0xB800  }
0x13: {  	s19 =	simm.s32 $0xC800;
	s20 =	simm.s32 $0x680;
	s21 =	simm.s32 $0xD800  }
0x14: {  	s22 =	simm.s32 $0x700;
	s23 =	simm.s32 $0xE800;
	s24 =	simm.s32 $0x780  }
0x15: {  	s25 =	simm.s32 $0xF800;
	s26 =	simm.s32 $0x1;
	s4 =	sadd.s32 s6, s3  }
0x16: {  	s3 =	sadd.s32 $0xF60400, s1;
	s0 =	sadd.s32 s5, s0;
	s6 =	simm.s32 $0x2  }
0x17: {  	s5 =	simm.s32 $0x400;
	[dreg:$0x4] =	wrdreg s4;
	s4 =	ssub.s32 s16, s18  }
0x18: {  	s1 =	simm.s32 $0x0;
	[dreg:$0x12] =	wrdreg s0;
	s4 =	smax.u32 s4, $0x1  }
0x19: {  	s16 =	simm.s32 $0x580;
	s18 =	simm.s32 $0x600;
	[dreg:$0x11] =	wrdreg s4  }
.LBB2_1:
0x1a: {  	[dreg:$0x13] =	wrdreg s1  }
0x1b: {  	s4 =	rddreg [dreg:$0x12]  }
0x1c: {  	[tilespmem:s2], [sflag:$0x2] =	stream.linear.gather [hbm4b:s4+s2], $0x800, $0x38;
	[tilespmem:$0x10800] =	vst v63  }
0x1d: {  	_ =	swait.ge [sflag:s6], $0x800  }
0x1e: {  	s0 =	rddreg [dreg:$0x6]  }
0x1f: {  	s13 =	rddreg [dreg:$0x5]  }
0x20: {  	[sflag:s6] =	ssyncset.done $0x0;
	s30 =	rddreg [dreg:$0x7]  }
0x21: {  	s31 =	rddreg [dreg:$0x9];
	[sflag:s6] =	ssyncadd.s32 $0xFFFFF800  }
0x22: {  	[tilespmem:s8], [sflag:$0x1] =	stream.indirect.gather [hbm4b:s3+s7], $0x20, s2, s7, $0xb8;
	[tilespmem:$0x10800] =	vst v63  }
0x23: {  	s29 =	rddreg [dreg:$0x8]  }
0x24: {  	[tilespmem:s13], [sflag:$0x1] =	stream.indirect.gather [hbm4b:s3+s7], $0x20, s7, s7, $0xb8;
	[tilespmem:$0x10800] =	vst v63  }
0x25: {  	s13 =	rddreg [dreg:$0xc]  }
0x26: {  	[tilespmem:s30], [sflag:$0x1] =	stream.indirect.gather [hbm4b:s3+s7], $0x20, s0, s7, $0xb8;
	[tilespmem:$0x10800] =	vst v63  }
0x27: {  	s0 =	rddreg [dreg:$0xe]  }
0x28: {  	s30 =	rddreg [dreg:$0xa]  }
0x29: {  	[tilespmem:s31], [sflag:$0x1] =	stream.indirect.gather [hbm4b:s3+s7], $0x20, s29, s7, $0xb8;
	[tilespmem:$0x10800] =	vst v63  }
0x2a: {  	s31 =	rddreg [dreg:$0xb]  }
0x2b: {  	[tilespmem:s9], [sflag:$0x1] =	stream.indirect.gather [hbm4b:s3+s7], $0x20, s30, s7, $0xb8;
	[tilespmem:$0x10800] =	vst v63  }
0x2c: {  	s29 =	rddreg [dreg:$0x10]  }
0x2d: {  	[tilespmem:s13], [sflag:$0x1] =	stream.indirect.gather [hbm4b:s3+s7], $0x20, s31, s7, $0xb8;
	[tilespmem:$0x10800] =	vst v63  }
0x2e: {  	s30 =	rddreg [dreg:$0xd]  }
0x2f: {  	[tilespmem:s0], [sflag:$0x1] =	stream.indirect.gather [hbm4b:s3+s7], $0x20, s30, s7, $0xb8;
	[tilespmem:$0x10800] =	vst v63  }
0x30: {  	s31 =	rddreg [dreg:$0xf]  }
0x31: {  	[tilespmem:s29], [sflag:$0x1] =	stream.indirect.gather [hbm4b:s3+s7], $0x20, s31, s7, $0xb8;
	[tilespmem:$0x10800] =	vst v63  }
0x32: {  	_ = 	snop  }
0x33: {  	[tilespmem:s11], [sflag:$0x1] =	stream.indirect.gather [hbm4b:s3+s7], $0x20, s5, s7, $0xb8;
	[tilespmem:$0x10800] =	vst v63  }
0x34: {  	_ = 	snop  }
0x35: {  	[tilespmem:s12], [sflag:$0x1] =	stream.indirect.gather [hbm4b:s3+s7], $0x20, s10, s7, $0xb8;
	[tilespmem:$0x10800] =	vst v63  }
0x36: {  	_ = 	snop  }
0x37: {  	[tilespmem:s15], [sflag:$0x1] =	stream.indirect.gather [hbm4b:s3+s7], $0x20, s14, s7, $0xb8;
	[tilespmem:$0x10800] =	vst v63  }
0x38: {  	_ = 	snop  }
0x39: {  	[tilespmem:s17], [sflag:$0x1] =	stream.indirect.gather [hbm4b:s3+s7], $0x20, s16, s7, $0xb8;
	[tilespmem:$0x10800] =	vst v63  }
0x3a: {  	_ = 	snop  }
0x3b: {  	[tilespmem:s19], [sflag:$0x1] =	stream.indirect.gather [hbm4b:s3+s7], $0x20, s18, s7, $0xb8;
	[tilespmem:$0x10800] =	vst v63  }
0x3c: {  	_ = 	snop  }
0x3d: {  	[tilespmem:s21], [sflag:$0x1] =	stream.indirect.gather [hbm4b:s3+s7], $0x20, s20, s7, $0xb8;
	[tilespmem:$0x10800] =	vst v63  }
0x3e: {  	_ = 	snop  }
0x3f: {  	[tilespmem:s23], [sflag:$0x1] =	stream.indirect.gather [hbm4b:s3+s7], $0x20, s22, s7, $0xb8;
	[tilespmem:$0x10800] =	vst v63  }
0x40: {  	_ = 	snop  }
0x41: {  	[tilespmem:s25], [sflag:$0x1] =	stream.indirect.gather [hbm4b:s3+s7], $0x20, s24, s7, $0xb8;
	[tilespmem:$0x10800] =	vst v63  }
0x42: {  	_ =	swait.ge [sflag:s26], $0x1000  }
0x43: {  	[sflag:s26] =	ssyncset.done $0x0  }
0x44: {  	[sflag:s26] =	ssyncadd.s32 $0xFFFFF000  }
0x45: {  	_ =	swait.ge [sflag:s26], $0x1000  }
0x46: {  	[sflag:s26] =	ssyncset.done $0x0  }
0x47: {  	[sflag:s26] =	ssyncadd.s32 $0xFFFFF000  }
0x48: {  	_ =	swait.ge [sflag:s26], $0x1000  }
0x49: {  	[sflag:s26] =	ssyncset.done $0x0  }
0x4a: {  	[sflag:s26] =	ssyncadd.s32 $0xFFFFF000  }
0x4b: {  	_ =	swait.ge [sflag:s26], $0x1000  }
0x4c: {  	[sflag:s26] =	ssyncset.done $0x0  }
0x4d: {  	[sflag:s26] =	ssyncadd.s32 $0xFFFFF000  }
0x4e: {  	_ =	swait.ge [sflag:s26], $0x1000  }
0x4f: {  	[sflag:s26] =	ssyncset.done $0x0  }
0x50: {  	[sflag:s26] =	ssyncadd.s32 $0xFFFFF000  }
0x51: {  	_ =	swait.ge [sflag:s26], $0x1000  }
0x52: {  	[sflag:s26] =	ssyncset.done $0x0  }
0x53: {  	[sflag:s26] =	ssyncadd.s32 $0xFFFFF000  }
0x54: {  	_ =	swait.ge [sflag:s26], $0x1000  }
0x55: {  	[sflag:s26] =	ssyncset.done $0x0  }
0x56: {  	[sflag:s26] =	ssyncadd.s32 $0xFFFFF000  }
0x57: {  	_ =	swait.ge [sflag:s26], $0x1000  }
0x58: {  	[sflag:s26] =	ssyncset.done $0x0  }
0x59: {  	[sflag:s26] =	ssyncadd.s32 $0xFFFFF000  }
0x5a: {  	_ =	swait.ge [sflag:s26], $0x1000  }
0x5b: {  	[sflag:s26] =	ssyncset.done $0x0  }
0x5c: {  	[sflag:s26] =	ssyncadd.s32 $0xFFFFF000  }
0x5d: {  	_ =	swait.ge [sflag:s26], $0x1000  }
0x5e: {  	[sflag:s26] =	ssyncset.done $0x0  }
0x5f: {  	[sflag:s26] =	ssyncadd.s32 $0xFFFFF000  }
0x60: {  	_ =	swait.ge [sflag:s26], $0x1000  }
0x61: {  	[sflag:s26] =	ssyncset.done $0x0  }
0x62: {  	[sflag:s26] =	ssyncadd.s32 $0xFFFFF000  }
0x63: {  	_ =	swait.ge [sflag:s26], $0x1000  }
0x64: {  	[sflag:s26] =	ssyncset.done $0x0  }
0x65: {  	[sflag:s26] =	ssyncadd.s32 $0xFFFFF000  }
0x66: {  	_ =	swait.ge [sflag:s26], $0x1000  }
0x67: {  	[sflag:s26] =	ssyncset.done $0x0  }
0x68: {  	[sflag:s26] =	ssyncadd.s32 $0xFFFFF000  }
0x69: {  	_ =	swait.ge [sflag:s26], $0x1000  }
0x6a: {  	[sflag:s26] =	ssyncset.done $0x0  }
0x6b: {  	[sflag:s26] =	ssyncadd.s32 $0xFFFFF000  }
0x6c: {  	_ =	swait.ge [sflag:s26], $0x1000  }
0x6d: {  	[sflag:s26] =	ssyncset.done $0x0  }
0x6e: {  	[sflag:s26] =	ssyncadd.s32 $0xFFFFF000  }
0x6f: {  	_ =	swait.ge [sflag:s26], $0x1000  }
0x70: {  	s12 =	rddreg [dreg:$0x4];
	[sflag:s26] =	ssyncset.done $0x0  }
0x71: {  	[sflag:s26] =	ssyncadd.s32 $0xFFFFF000;
	s0 =	sadd.s32 $0x0, s12  }
0x72: {  	[hbm4b:s0+s28] =	stream.strided.scatter [tilespmem:s8], [sflag:$0x2], $0x4000, s7, s28, $0x38;
	[tilespmem:$0x10800] =	vst v63  }
0x73: {  	_ =	swait.ge [sflag:s6], $0x4000  }
0x74: {  	[sflag:s6] =	ssyncset.done $0x0  }
0x75: {  	s13 =	sadd.s32 $0x4, s0;
	[sflag:s6] =	ssyncadd.s32 $0xFFFFC000  }
0x76: {  	[hbm4b:s13+s28] =	stream.strided.scatter [tilespmem:s9], [sflag:$0x2], $0x4000, s7, s28, $0x38;
	[tilespmem:$0x10800] =	vst v63  }
0x77: {  	_ =	swait.ge [sflag:s6], $0x4000  }
0x78: {  	[sflag:s6] =	ssyncset.done $0x0  }
0x79: {  	s30 =	simm.s32 $0x2000;
	s29 =	sadd.s32 $0x8, s0;
	[sflag:s6] =	ssyncadd.s32 $0xFFFFC000  }
0x7a: {  	[hbm4b:s29+s28] =	stream.strided.scatter [tilespmem:s11], [sflag:$0x2], $0x4000, s7, s28, $0x38;
	[tilespmem:$0x10800] =	vst v63  }
0x7b: {  	s31 =	smov.u32 s4;
	s0 =	sadd.s32 $0xC, s0;
	_ =	swait.ge [sflag:s6], $0x4000  }
.LBB2_2:
0x7c: {  	[sflag:s6] =	ssyncset.done $0x0  }
0x7d: {  	[sflag:s6] =	ssyncadd.s32 $0xFFFFC000  }
0x7e: {  	[hbm4b:s0+s28] =	stream.strided.scatter [tilespmem:s19], [sflag:$0x2], $0x4000, s7, s28, $0x38;
	[tilespmem:$0x10800] =	vst v63  }
0x7f: {  	_ =	swait.ge [sflag:s6], $0x4000  }
0x80: {  	[sflag:s6] =	ssyncset.done $0x0  }
0x81: {  	s31 =	sadd.s32 $0x100, s31;
	[sflag:s6] =	ssyncadd.s32 $0xFFFFC000  }
0x82: {  	[tilespmem:s2], [sflag:$0x2] =	stream.linear.gather [hbm4b:s31+s2], $0x800, $0x38;
	[tilespmem:$0x10800] =	vst v63  }
0x83: {  	_ =	swait.ge [sflag:s6], $0x800  }
0x84: {  	s0 =	rddreg [dreg:$0xe]  }
0x85: {  	s4 =	rddreg [dreg:$0xc]  }
0x86: {  	s5 =	rddreg [dreg:$0xa]  }
0x87: {  	s29 =	rddreg [dreg:$0x6];
	[sflag:s6] =	ssyncset.done $0x0  }
0x88: {  	s10 =	rddreg [dreg:$0x5];
	[sflag:s6] =	ssyncadd.s32 $0xFFFFF800  }
0x89: {  	[tilespmem:s8], [sflag:$0x1] =	stream.indirect.gather [hbm4b:s3+s7], $0x20, s2, s7, $0xb8;
	[tilespmem:$0x10800] =	vst v63  }
0x8a: {  	s12 =	rddreg [dreg:$0x7]  }
0x8b: {  	[tilespmem:s10], [sflag:$0x1] =	stream.indirect.gather [hbm4b:s3+s7], $0x20, s7, s7, $0xb8;
	[tilespmem:$0x10800] =	vst v63  }
0x8c: {  	s13 =	rddreg [dreg:$0x9]  }
0x8d: {  	[tilespmem:s12], [sflag:$0x1] =	stream.indirect.gather [hbm4b:s3+s7], $0x20, s29, s7, $0xb8;
	[tilespmem:$0x10800] =	vst v63  }
0x8e: {  	s10 =	rddreg [dreg:$0x8]  }
0x8f: {  	[tilespmem:s13], [sflag:$0x1] =	stream.indirect.gather [hbm4b:s3+s7], $0x20, s10, s7, $0xb8;
	[tilespmem:$0x10800] =	vst v63  }
0x90: {  	s12 =	rddreg [dreg:$0x10]  }
0x91: {  	[tilespmem:s9], [sflag:$0x1] =	stream.indirect.gather [hbm4b:s3+s7], $0x20, s5, s7, $0xb8;
	[tilespmem:$0x10800] =	vst v63  }
0x92: {  	s29 =	rddreg [dreg:$0xb]  }
0x93: {  	[tilespmem:s4], [sflag:$0x1] =	stream.indirect.gather [hbm4b:s3+s7], $0x20, s29, s7, $0xb8;
	[tilespmem:$0x10800] =	vst v63  }
0x94: {  	s13 =	rddreg [dreg:$0xd]  }
0x95: {  	[tilespmem:s0], [sflag:$0x1] =	stream.indirect.gather [hbm4b:s3+s7], $0x20, s13, s7, $0xb8;
	[tilespmem:$0x10800] =	vst v63  }
0x96: {  	s29 =	rddreg [dreg:$0xf]  }
0x97: {  	[tilespmem:s12], [sflag:$0x1] =	stream.indirect.gather [hbm4b:s3+s7], $0x20, s29, s7, $0xb8;
	[tilespmem:$0x10800] =	vst v63  }
0x98: {  	s5 =	simm.s32 $0x400  }
0x99: {  	[tilespmem:s11], [sflag:$0x1] =	stream.indirect.gather [hbm4b:s3+s7], $0x20, s5, s7, $0xb8;
	[tilespmem:$0x10800] =	vst v63  }
0x9a: {  	s10 =	simm.s32 $0x480;
	s12 =	simm.s32 $0x9800  }
0x9b: {  	[tilespmem:s12], [sflag:$0x1] =	stream.indirect.gather [hbm4b:s3+s7], $0x20, s10, s7, $0xb8;
	[tilespmem:$0x10800] =	vst v63  }
0x9c: {  	_ = 	snop  }
0x9d: {  	[tilespmem:s15], [sflag:$0x1] =	stream.indirect.gather [hbm4b:s3+s7], $0x20, s14, s7, $0xb8;
	[tilespmem:$0x10800] =	vst v63  }
0x9e: {  	_ = 	snop  }
0x9f: {  	[tilespmem:s17], [sflag:$0x1] =	stream.indirect.gather [hbm4b:s3+s7], $0x20, s16, s7, $0xb8;
	[tilespmem:$0x10800] =	vst v63  }
0xa0: {  	_ = 	snop  }
0xa1: {  	[tilespmem:s19], [sflag:$0x1] =	stream.indirect.gather [hbm4b:s3+s7], $0x20, s18, s7, $0xb8;
	[tilespmem:$0x10800] =	vst v63  }
0xa2: {  	_ = 	snop  }
0xa3: {  	[tilespmem:s21], [sflag:$0x1] =	stream.indirect.gather [hbm4b:s3+s7], $0x20, s20, s7, $0xb8;
	[tilespmem:$0x10800] =	vst v63  }
0xa4: {  	_ = 	snop  }
0xa5: {  	[tilespmem:s23], [sflag:$0x1] =	stream.indirect.gather [hbm4b:s3+s7], $0x20, s22, s7, $0xb8;
	[tilespmem:$0x10800] =	vst v63  }
0xa6: {  	_ = 	snop  }
0xa7: {  	[tilespmem:s25], [sflag:$0x1] =	stream.indirect.gather [hbm4b:s3+s7], $0x20, s24, s7, $0xb8;
	[tilespmem:$0x10800] =	vst v63  }
0xa8: {  	_ =	swait.ge [sflag:s26], $0x1000  }
0xa9: {  	[sflag:s26] =	ssyncset.done $0x0  }
0xaa: {  	[sflag:s26] =	ssyncadd.s32 $0xFFFFF000  }
0xab: {  	_ =	swait.ge [sflag:s26], $0x1000  }
0xac: {  	[sflag:s26] =	ssyncset.done $0x0  }
0xad: {  	[sflag:s26] =	ssyncadd.s32 $0xFFFFF000  }
0xae: {  	_ =	swait.ge [sflag:s26], $0x1000  }
0xaf: {  	[sflag:s26] =	ssyncset.done $0x0  }
0xb0: {  	[sflag:s26] =	ssyncadd.s32 $0xFFFFF000  }
0xb1: {  	_ =	swait.ge [sflag:s26], $0x1000  }
0xb2: {  	[sflag:s26] =	ssyncset.done $0x0  }
0xb3: {  	[sflag:s26] =	ssyncadd.s32 $0xFFFFF000  }
0xb4: {  	_ =	swait.ge [sflag:s26], $0x1000  }
0xb5: {  	[sflag:s26] =	ssyncset.done $0x0  }
0xb6: {  	[sflag:s26] =	ssyncadd.s32 $0xFFFFF000  }
0xb7: {  	_ =	swait.ge [sflag:s26], $0x1000  }
0xb8: {  	[sflag:s26] =	ssyncset.done $0x0  }
0xb9: {  	[sflag:s26] =	ssyncadd.s32 $0xFFFFF000  }
0xba: {  	_ =	swait.ge [sflag:s26], $0x1000  }
0xbb: {  	[sflag:s26] =	ssyncset.done $0x0  }
0xbc: {  	[sflag:s26] =	ssyncadd.s32 $0xFFFFF000  }
0xbd: {  	_ =	swait.ge [sflag:s26], $0x1000  }
0xbe: {  	[sflag:s26] =	ssyncset.done $0x0  }
0xbf: {  	[sflag:s26] =	ssyncadd.s32 $0xFFFFF000  }
0xc0: {  	_ =	swait.ge [sflag:s26], $0x1000  }
0xc1: {  	[sflag:s26] =	ssyncset.done $0x0  }
0xc2: {  	[sflag:s26] =	ssyncadd.s32 $0xFFFFF000  }
0xc3: {  	_ =	swait.ge [sflag:s26], $0x1000  }
0xc4: {  	[sflag:s26] =	ssyncset.done $0x0  }
0xc5: {  	[sflag:s26] =	ssyncadd.s32 $0xFFFFF000  }
0xc6: {  	_ =	swait.ge [sflag:s26], $0x1000  }
0xc7: {  	[sflag:s26] =	ssyncset.done $0x0  }
0xc8: {  	[sflag:s26] =	ssyncadd.s32 $0xFFFFF000  }
0xc9: {  	_ =	swait.ge [sflag:s26], $0x1000  }
0xca: {  	[sflag:s26] =	ssyncset.done $0x0  }
0xcb: {  	[sflag:s26] =	ssyncadd.s32 $0xFFFFF000  }
0xcc: {  	_ =	swait.ge [sflag:s26], $0x1000  }
0xcd: {  	[sflag:s26] =	ssyncset.done $0x0  }
0xce: {  	[sflag:s26] =	ssyncadd.s32 $0xFFFFF000  }
0xcf: {  	_ =	swait.ge [sflag:s26], $0x1000  }
0xd0: {  	[sflag:s26] =	ssyncset.done $0x0  }
0xd1: {  	[sflag:s26] =	ssyncadd.s32 $0xFFFFF000  }
0xd2: {  	_ =	swait.ge [sflag:s26], $0x1000  }
0xd3: {  	[sflag:s26] =	ssyncset.done $0x0  }
0xd4: {  	[sflag:s26] =	ssyncadd.s32 $0xFFFFF000  }
0xd5: {  	_ =	swait.ge [sflag:s26], $0x1000  }
0xd6: {  	s1 =	smov.u32 s30;
	s13 =	rddreg [dreg:$0x4];
	[sflag:s26] =	ssyncset.done $0x0  }
0xd7: {  	[sflag:s26] =	ssyncadd.s32 $0xFFFFF000;
	s1 =	sadd.s32 s1, s13  }
0xd8: {  	[hbm4b:s1+s28] =	stream.strided.scatter [tilespmem:s8], [sflag:$0x2], $0x4000, s7, s28, $0x38;
	[tilespmem:$0x10800] =	vst v63  }
0xd9: {  	_ =	swait.ge [sflag:s6], $0x4000  }
0xda: {  	[sflag:s6] =	ssyncset.done $0x0  }
0xdb: {  	p0 =	sne.s32 s30, $0x12000;
	s29 =	sadd.s32 $0x4, s1;
	[sflag:s6] =	ssyncadd.s32 $0xFFFFC000  }
0xdc: {  	[hbm4b:s29+s28] =	stream.strided.scatter [tilespmem:s9], [sflag:$0x2], $0x4000, s7, s28, $0x38;
	[tilespmem:$0x10800] =	vst v63  }
.Ltmp0:
0xdd: {  	_ =	swait.ge [sflag:s6], $0x4000;
	(pc) =	sbr.rel @p0 .LBB2_2-.Ltmp0, $4  }
0xde: {  	[sflag:s6] =	ssyncset.done $0x0  }
0xdf: {  	s0 =	sadd.s32 $0xC, s1;
	s1 =	sadd.s32 $0x8, s1;
	[sflag:s6] =	ssyncadd.s32 $0xFFFFC000  }
0xe0: {  	[hbm4b:s1+s28] =	stream.strided.scatter [tilespmem:s11], [sflag:$0x2], $0x4000, s7, s28, $0x38;
	[tilespmem:$0x10800] =	vst v63  }
0xe1: {  	s30 =	sadd.s32 $0x2000, s30;
	_ =	swait.ge [sflag:s6], $0x4000  }
0xe2: {  	[sflag:s6] =	ssyncset.done $0x0  }
0xe3: {  	[sflag:s6] =	ssyncadd.s32 $0xFFFFC000  }
0xe4: {  	[hbm4b:s0+s28] =	stream.strided.scatter [tilespmem:s19], [sflag:$0x2], $0x4000, s7, s28, $0x38;
	[tilespmem:$0x10800] =	vst v63  }
0xe5: {  	_ =	swait.ge [sflag:s6], $0x4000  }
0xe6: {  	s1 =	rddreg [dreg:$0x13]  }
0xe7: {  	s31 =	rddreg [dreg:$0x11];
	s1 =	sadd.s32 $0x1, s1  }
0xe8: {  	p0 =	sne.s32 s1, s31  }
.Ltmp1:
0xe9: {  	_ = 	snop;
	(pc) =	sbr.rel @p0 .LBB2_1-.Ltmp1, $3  }
0xea: {  	_ =	sdelay $0x1  }
0xeb: {  	[sflag:s6] =	ssyncset.done $0x0  }
0xec: {  	[sflag:s6] =	ssyncadd.s32 $0xFFFFC000  }
0xed: {  	_ =	sfence.sel $0x180000  }
0xee: {  	[bflag:$0x0] =	sbarrier.arrive $0xFFFF  }
0xef: {  	_ =	strace $0x90000047  }
0xf0: {  	s0 =	stileid.u32;
	[bflag:$0x2] =	sbarrier.arrive $0xFFFF  }
0xf1: {  	p0 =	sne.s32 s0, $0x0;
	s0 =	rddreg [dreg:$0x3]  }
0xf2: {  	s0 =	sadd.s32 @!p0 $0x100000, s0  }
0xf3: {  	[sflag:s0] =	ssyncadd.tile.s32 @!p0 $0x1;
	_ =	shalt  }
.Lfunc_end2:
_tile_overlayer_lowered:
.L_overlay_start_2:
0xf4: {  	(tag) =	ssettag $0x2  }
0xf5: {  	s0 =	rddreg [dreg:$0x0];
	s2 =	stileid.u32  }
0xf6: {  	s1 =	rddreg [dreg:$0x1];
	p0 =	sne.s32 s2, $0x0  }
0xf7: {  	s3 =	rddreg [dreg:$0x2];
	[bflag:$0x3] =	sbarrier.arrive $0xFFFF;
	s2 =	simm.s32 @!p0 $0x1C02  }
0xf8: {  	[timem:s3], [sflag:s2] =	dma.local @!p0 [hbm:s0], s1  }
0xf9: {  	s0 =	simm.s32 @!p0 $0x2  }
0xfa: {  	_ =	swait.ge @!p0 [sflag:s0], s1  }
0xfb: {  	s1 =	ssub.s32 @!p0 $0x0, s1;
	[sflag:s0] =	ssyncset.done @!p0 $0x0  }
0xfc: {  	[sflag:s0] =	ssyncadd.s32 @!p0 s1  }
0xfd: {  	[bflag:$0x3] =	sbarrier.arrive $0xFFFF  }
0xfe: {  	_ =	shalt  }

</sc_bundles>
